<compile_context>
chip_gen: v7x
topology: tpu7x:2x2x1
jax: 0.10.2.dev20260603
libtpu: 0.0.44.dev20260713+nightly
codegen_flags: <defaults>
</compile_context>

<pallas_src>
import functools

import jax
import jax.numpy as jnp
from jax import lax
from jax.experimental import pallas as pl
from jax.experimental.pallas import tpu as pltpu
from jax.experimental.pallas import tpu_sc as plsc

_BATCH = 16384
_DIM = 4096
_OPS = 16

_NC = 2
_NS = 16
_NW = _NC * _NS
_ROWS_PER_W = _BATCH // _NW
_RCHUNK = 4
_NCHUNKS = _ROWS_PER_W // _RCHUNK
_NJ = _DIM // 16

_GATE_COEF = (
    (0.0, 0.0, 0.0, 0.0),
    (0.0, 0.0, 0.0, 1.0),
    (0.0, 1.0, 0.0, -1.0),
    (0.0, 1.0, 0.0, 0.0),
    (0.0, 0.0, 1.0, -1.0),
    (0.0, 0.0, 1.0, 0.0),
    (0.0, 1.0, 1.0, -2.0),
    (0.0, 1.0, 1.0, -1.0),
    (1.0, -1.0, -1.0, 1.0),
    (1.0, -1.0, -1.0, 2.0),
    (1.0, 0.0, -1.0, 0.0),
    (1.0, 0.0, -1.0, 1.0),
    (1.0, -1.0, 0.0, 0.0),
    (1.0, -1.0, 0.0, 1.0),
    (1.0, 0.0, 0.0, -1.0),
    (1.0, 0.0, 0.0, 0.0),
)


def _coef_tc(wt_ref, g_ref, out_ref):
    w = wt_ref[...]
    m = jnp.max(w, axis=0, keepdims=True)
    e = jnp.exp(w - m)
    e = e / jnp.sum(e, axis=0, keepdims=True)
    out_ref[...] = jnp.dot(g_ref[...], e, preferred_element_type=jnp.float32)


def _sc_kernel(x_hbm, cf_hbm, ia_hbm, ib_hbm, out_hbm,
               ia_v, ib_v, cf_v,
               xbuf0, xbuf1, obuf0, obuf1,
               sem_i0, sem_i1, sem_o0, sem_o1):
    wid = lax.axis_index("s") * _NC + lax.axis_index("c")
    base_row = wid * _ROWS_PER_W
    xbufs = (xbuf0, xbuf1)
    obufs = (obuf0, obuf1)
    sem_in = (sem_i0, sem_i1)
    sem_out = (sem_o0, sem_o1)

    pltpu.sync_copy(ia_hbm, ia_v)
    pltpu.sync_copy(ib_hbm, ib_v)
    pltpu.sync_copy(cf_hbm, cf_v)

    for b in range(2):
        row0 = base_row + b * _RCHUNK
        pltpu.async_copy(x_hbm.at[pl.ds(row0, _RCHUNK), :], xbufs[b], sem_in[b])

    @pl.loop(0, _NCHUNKS, step=2)
    def _chunk(g):
        for b in range(2):
            c = g + b
            row0 = base_row + c * _RCHUNK
            xb, ob = xbufs[b], obufs[b]
            pltpu.make_async_copy(
                x_hbm.at[pl.ds(row0, _RCHUNK), :], xb, sem_in[b]).wait()

            @pl.when(g > 0)
            def _():
                prow0 = row0 - 2 * _RCHUNK
                pltpu.make_async_copy(
                    ob, out_hbm.at[pl.ds(prow0, _RCHUNK), :], sem_out[b]).wait()

            def _ldidx(j):
                off = j * 16
                return (ia_v[pl.ds(off, 16)], ib_v[pl.ds(off, 16)])

            def _ldcf(j):
                off = j * 16
                return tuple(cf_v[k, pl.ds(off, 16)] for k in range(4))

            def _gath(iab):
                ia16, ib16 = iab
                res = []
                for r in range(_RCHUNK):
                    rvec = jnp.full((16,), r, dtype=jnp.int32)
                    res.append((plsc.load_gather(xb, [rvec, ia16]),
                                plsc.load_gather(xb, [rvec, ib16])))
                return tuple(res)

            iab0 = _ldidx(0)
            prime = (_ldidx(1), _ldcf(0), _gath(iab0))

            @pl.loop(0, _NJ, init_carry=prime)
            def _blk(t, carry):
                iab_n, cf_t, g_t = carry
                j2 = jnp.minimum(t + 2, _NJ - 1)
                iab2 = _ldidx(j2)
                j1 = jnp.minimum(t + 1, _NJ - 1)
                cf_n = _ldcf(j1)
                g_n = _gath(iab_n)
                off = t * 16
                c0, ca, cb, cab = cf_t
                for r in range(_RCHUNK):
                    a, bb = g_t[r]
                    ob[r, pl.ds(off, 16)] = c0 + a * (ca + cab * bb) + cb * bb
                return (iab2, cf_n, g_n)

            pltpu.async_copy(ob, out_hbm.at[pl.ds(row0, _RCHUNK), :], sem_out[b])

            @pl.when(c + 2 < _NCHUNKS)
            def _():
                nrow0 = row0 + 2 * _RCHUNK
                pltpu.async_copy(
                    x_hbm.at[pl.ds(nrow0, _RCHUNK), :], xb, sem_in[b])

    for b in range(2):
        row0 = base_row + (_NCHUNKS - 2 + b) * _RCHUNK
        pltpu.make_async_copy(
            obufs[b], out_hbm.at[pl.ds(row0, _RCHUNK), :], sem_out[b]).wait()


@jax.jit
def _run(x, wt, g, ia, ib):
    coef = pl.pallas_call(
        _coef_tc,
        out_shape=jax.ShapeDtypeStruct((4, _DIM), jnp.float32),
    )(wt, g)

    mesh = plsc.VectorSubcoreMesh(core_axis_name="c", subcore_axis_name="s")
    f = pl.kernel(
        _sc_kernel,
        out_type=jax.ShapeDtypeStruct((_BATCH, _DIM), jnp.float32),
        mesh=mesh,
        compiler_params=pltpu.CompilerParams(needs_layout_passes=False),
        scratch_types=[
            pltpu.VMEM((_DIM,), jnp.int32),
            pltpu.VMEM((_DIM,), jnp.int32),
            pltpu.VMEM((4, _DIM), jnp.float32),
            pltpu.VMEM((_RCHUNK, _DIM), jnp.float32),
            pltpu.VMEM((_RCHUNK, _DIM), jnp.float32),
            pltpu.VMEM((_RCHUNK, _DIM), jnp.float32),
            pltpu.VMEM((_RCHUNK, _DIM), jnp.float32),
            pltpu.SemaphoreType.DMA,
            pltpu.SemaphoreType.DMA,
            pltpu.SemaphoreType.DMA,
            pltpu.SemaphoreType.DMA,
        ],
    )
    return f(x, coef, ia, ib)


def kernel(x, weights, indices_a, indices_b):
    wt = jnp.transpose(weights)
    g = jnp.transpose(jnp.asarray(_GATE_COEF, dtype=jnp.float32))
    return _run(x, wt, g, indices_a, indices_b)

# --- scband reference (transcript-rebuilt; emitter-appended) ---
"""Pipeline reference for scband-diff-logic-layer-89824946029085 (READ-ONLY COPY).

The authoritative reference and input builder live on the scoring server;
editing this copy changes nothing except your own understanding.
"""

import jax, jax.numpy as jnp
import numpy as np

BATCH = 16384
IN_DIM = 4096
OUT_DIM = 4096
OPS = 16


def _bin_op_s_matrix(a, b, w):
    # a, b: [B, out_dim]; w: [out_dim, 16] (soft gate weights, rows sum to 1)
    # Standard 16 differentiable binary logic gates (difflogic ordering).
    ab = a * b
    terms = [
        jnp.zeros_like(a),          # 0: false
        ab,                         # 1: a AND b
        a - ab,                     # 2: a AND NOT b
        a,                          # 3: a
        b - ab,                     # 4: NOT a AND b
        b,                          # 5: b
        a + b - 2.0 * ab,           # 6: a XOR b
        a + b - ab,                 # 7: a OR b
        1.0 - (a + b - ab),         # 8: NOR
        1.0 - (a + b - 2.0 * ab),   # 9: XNOR
        1.0 - b,                    # 10: NOT b
        1.0 - b + ab,               # 11: a OR NOT b
        1.0 - a,                    # 12: NOT a
        1.0 - a + ab,               # 13: NOT a OR b
        1.0 - ab,                   # 14: NAND
        jnp.ones_like(a),           # 15: true
    ]
    out = jnp.zeros_like(a)
    for i, t in enumerate(terms):
        out = out + w[None, :, i] * t
    return out


def setup_inputs(seed: int = 0) -> dict:
    key = jax.random.key(seed)
    k1, k2 = jax.random.split(key, 2)
    x = jax.random.uniform(k1, (BATCH, IN_DIM), dtype=jnp.float32)
    weights = jax.random.normal(k2, (OUT_DIM, OPS), dtype=jnp.float32)
    # replicate _init_connections with numpy RNG for reproducibility
    rng = np.random.default_rng(0)
    c = rng.permutation(2 * OUT_DIM) % IN_DIM
    perm = rng.permutation(IN_DIM)
    c = perm[c].reshape(2, OUT_DIM)
    indices_a = jnp.asarray(c[0], dtype=jnp.int32)
    indices_b = jnp.asarray(c[1], dtype=jnp.int32)
    return {"x": x, "weights": weights, "indices_a": indices_a, "indices_b": indices_b}


def reference(x, weights, indices_a, indices_b):
    a = x[..., indices_a]
    b = x[..., indices_b]
    w = jax.nn.softmax(weights, axis=-1)  # training-mode soft gate mixture
    return _bin_op_s_matrix(a, b, w)

if __name__ == "__main__":
    import jax
    _d = setup_inputs()
    print(jax.jit(kernel)(*tuple(_d.values())))

</pallas_src>

<mosaic_0001>
#map = affine_map<(d0, d1) -> (0, 0)>
#map1 = affine_map<(d0, d1) -> (0)>
module attributes {stable_mosaic.version = 14 : i64} {
  func.func @_sc_kernel(%arg0: i32, %arg1: i32, %arg2: memref<16384x4096xf32, #tpu.memory_space<hbm>>, %arg3: memref<4x4096xf32, #tpu.memory_space<hbm>>, %arg4: memref<4096xi32, #tpu.memory_space<hbm>>, %arg5: memref<4096xi32, #tpu.memory_space<hbm>>, %arg6: memref<16384x4096xf32, #tpu.memory_space<hbm>>, %arg7: memref<4096xi32, #tpu.memory_space<vmem>>, %arg8: memref<4096xi32, #tpu.memory_space<vmem>>, %arg9: memref<4x4096xf32, #tpu.memory_space<vmem>>, %arg10: memref<4x4096xf32, #tpu.memory_space<vmem>>, %arg11: memref<4x4096xf32, #tpu.memory_space<vmem>>, %arg12: memref<4x4096xf32, #tpu.memory_space<vmem>>, %arg13: memref<4x4096xf32, #tpu.memory_space<vmem>>, %arg14: memref<!tpu.dma_semaphore, #tpu.memory_space<semaphore_mem>>, %arg15: memref<!tpu.dma_semaphore, #tpu.memory_space<semaphore_mem>>, %arg16: memref<!tpu.dma_semaphore, #tpu.memory_space<semaphore_mem>>, %arg17: memref<!tpu.dma_semaphore, #tpu.memory_space<semaphore_mem>>) attributes {dimension_semantics = [#tpu.dimension_semantics<core_parallel>, #tpu.dimension_semantics<subcore_parallel>], iteration_bounds = array<i64: 2, 16>, scalar_prefetch = 0 : i64, scratch_operands = 11 : i64, tpu.core_type = #tpu.core_type<sc_vector_subcore>, window_params = [{transform_indices = #map}, {transform_indices = #map}, {transform_indices = #map1}, {transform_indices = #map1}, {transform_indices = #map}]} {
    %mul3A = arith.constant 2 : i32
    %mul3A_0 = arith.muli %arg1, %mul3A : i32
    %add3A = arith.addi %mul3A_0, %arg0 : i32
    %mul3A_1 = arith.constant 512 : i32
    %mul3A_2 = arith.muli %add3A, %mul3A_1 : i32
    "tpu.region"() ({
      %run_scoped3A = tpu.sem_alloc : memref<!tpu.dma_semaphore, #tpu.memory_space<semaphore_mem>>
      tpu.enqueue_dma source(%arg4 : memref<4096xi32, #tpu.memory_space<hbm>>) target(%arg7 : memref<4096xi32, #tpu.memory_space<vmem>>) target_semaphore(%run_scoped3A : memref<!tpu.dma_semaphore, #tpu.memory_space<semaphore_mem>>)
      tpu.wait_dma2 semaphore(%run_scoped3A : memref<!tpu.dma_semaphore, #tpu.memory_space<semaphore_mem>>) src(%arg4 : memref<4096xi32, #tpu.memory_space<hbm>>) dst(%arg7 : memref<4096xi32, #tpu.memory_space<vmem>>)
      tpu.yield
    }) : () -> ()
    "tpu.region"() ({
      %run_scoped3A = tpu.sem_alloc : memref<!tpu.dma_semaphore, #tpu.memory_space<semaphore_mem>>
      tpu.enqueue_dma source(%arg5 : memref<4096xi32, #tpu.memory_space<hbm>>) target(%arg8 : memref<4096xi32, #tpu.memory_space<vmem>>) target_semaphore(%run_scoped3A : memref<!tpu.dma_semaphore, #tpu.memory_space<semaphore_mem>>)
      tpu.wait_dma2 semaphore(%run_scoped3A : memref<!tpu.dma_semaphore, #tpu.memory_space<semaphore_mem>>) src(%arg5 : memref<4096xi32, #tpu.memory_space<hbm>>) dst(%arg8 : memref<4096xi32, #tpu.memory_space<vmem>>)
      tpu.yield
    }) : () -> ()
    "tpu.region"() ({
      %run_scoped3A = tpu.sem_alloc : memref<!tpu.dma_semaphore, #tpu.memory_space<semaphore_mem>>
      tpu.enqueue_dma source(%arg3 : memref<4x4096xf32, #tpu.memory_space<hbm>>) target(%arg9 : memref<4x4096xf32, #tpu.memory_space<vmem>>) target_semaphore(%run_scoped3A : memref<!tpu.dma_semaphore, #tpu.memory_space<semaphore_mem>>)
      tpu.wait_dma2 semaphore(%run_scoped3A : memref<!tpu.dma_semaphore, #tpu.memory_space<semaphore_mem>>) src(%arg3 : memref<4x4096xf32, #tpu.memory_space<hbm>>) dst(%arg9 : memref<4x4096xf32, #tpu.memory_space<vmem>>)
      tpu.yield
    }) : () -> ()
    %add3A_3 = arith.constant 0 : i32
    %add3A_4 = arith.addi %mul3A_2, %add3A_3 : i32
    %dma_start3A = arith.constant 0 : i32
    %dma_start3A_5 = tpu.memref_slice %arg2[%add3A_4, %dma_start3A] : memref<16384x4096xf32, #tpu.memory_space<hbm>> -> memref<4x4096xf32, #tpu.memory_space<hbm>>
    %dma_start3A_6 = arith.constant 0 : i32
    %dma_start3A_7 = tpu.memref_slice %arg2[%add3A_4, %dma_start3A_6] : memref<16384x4096xf32, #tpu.memory_space<hbm>> -> memref<4x4096xf32, #tpu.memory_space<hbm>>
    tpu.enqueue_dma source(%dma_start3A_7 : memref<4x4096xf32, #tpu.memory_space<hbm>>) target(%arg10 : memref<4x4096xf32, #tpu.memory_space<vmem>>) target_semaphore(%arg14 : memref<!tpu.dma_semaphore, #tpu.memory_space<semaphore_mem>>)
    %add3A_8 = arith.constant 4 : i32
    %add3A_9 = arith.addi %mul3A_2, %add3A_8 : i32
    %dma_start3A_10 = arith.constant 0 : i32
    %dma_start3A_11 = tpu.memref_slice %arg2[%add3A_9, %dma_start3A_10] : memref<16384x4096xf32, #tpu.memory_space<hbm>> -> memref<4x4096xf32, #tpu.memory_space<hbm>>
    %dma_start3A_12 = arith.constant 0 : i32
    %dma_start3A_13 = tpu.memref_slice %arg2[%add3A_9, %dma_start3A_12] : memref<16384x4096xf32, #tpu.memory_space<hbm>> -> memref<4x4096xf32, #tpu.memory_space<hbm>>
    tpu.enqueue_dma source(%dma_start3A_13 : memref<4x4096xf32, #tpu.memory_space<hbm>>) target(%arg11 : memref<4x4096xf32, #tpu.memory_space<vmem>>) target_semaphore(%arg15 : memref<!tpu.dma_semaphore, #tpu.memory_space<semaphore_mem>>)
    %scan3A = arith.constant 0 : i32
    %scan3A_14 = arith.constant 64 : i32
    %scan3A_15 = arith.addi %scan3A, %scan3A_14 : i32
    %scan3A_16 = arith.constant 1 : i32
    scf.for %scan3A_29 = %scan3A to %scan3A_15 step %scan3A_16  : i32 {
      %mul3A_30 = arith.constant 2 : i32
      %mul3A_31 = arith.muli %scan3A_29, %mul3A_30 : i32
      %add3A_32 = arith.constant 0 : i32
      %add3A_33 = arith.addi %add3A_32, %mul3A_31 : i32
      %add3A_34 = arith.constant 0 : i32
      %add3A_35 = arith.addi %add3A_33, %add3A_34 : i32
      %mul3A_36 = arith.constant 4 : i32
      %mul3A_37 = arith.muli %add3A_35, %mul3A_36 : i32
      %add3A_38 = arith.addi %mul3A_2, %mul3A_37 : i32
      %dma_wait3A_39 = arith.constant 0 : i32
      %dma_wait3A_40 = tpu.memref_slice %arg2[%add3A_38, %dma_wait3A_39] : memref<16384x4096xf32, #tpu.memory_space<hbm>> -> memref<4x4096xf32, #tpu.memory_space<hbm>>
      %dma_wait3A_41 = arith.constant 0 : i32
      %dma_wait3A_42 = tpu.memref_slice %arg2[%add3A_38, %dma_wait3A_41] : memref<16384x4096xf32, #tpu.memory_space<hbm>> -> memref<4x4096xf32, #tpu.memory_space<hbm>>
      tpu.wait_dma2 semaphore(%arg14 : memref<!tpu.dma_semaphore, #tpu.memory_space<semaphore_mem>>) src(%dma_wait3A_42 : memref<4x4096xf32, #tpu.memory_space<hbm>>) dst(%arg10 : memref<4x4096xf32, #tpu.memory_space<vmem>>)
      %gt3A = arith.constant 0 : i32
      %gt3A_43 = arith.cmpi sgt, %add3A_33, %gt3A : i32
      %convert_element_type3A = arith.extui %gt3A_43 : i1 to i32
      %cond3A = arith.constant 0 : i32
      %cond3A_44 = arith.cmpi ne, %convert_element_type3A, %cond3A : i32
      scf.if %cond3A_44 {
        %sub3A = arith.constant 8 : i32
        %sub3A_169 = arith.subi %add3A_38, %sub3A : i32
        %dma_wait3A_170 = arith.constant 0 : i32
        %dma_wait3A_171 = tpu.memref_slice %arg6[%sub3A_169, %dma_wait3A_170] : memref<16384x4096xf32, #tpu.memory_space<hbm>> -> memref<4x4096xf32, #tpu.memory_space<hbm>>
        %dma_wait3A_172 = arith.constant 0 : i32
        %dma_wait3A_173 = tpu.memref_slice %arg6[%sub3A_169, %dma_wait3A_172] : memref<16384x4096xf32, #tpu.memory_space<hbm>> -> memref<4x4096xf32, #tpu.memory_space<hbm>>
        tpu.wait_dma2 semaphore(%arg16 : memref<!tpu.dma_semaphore, #tpu.memory_space<semaphore_mem>>) src(%arg12 : memref<4x4096xf32, #tpu.memory_space<vmem>>) dst(%dma_wait3A_173 : memref<4x4096xf32, #tpu.memory_space<hbm>>)
      } else {
      }
      %get3A = arith.constant 0 : index
      %get3A_45 = tpu.vector_load %arg7[%get3A] {strides = array<i32>} : memref<4096xi32, #tpu.memory_space<vmem>>, vector<16xi32>,
      %get3A_46 = arith.constant 0 : index
      %get3A_47 = tpu.vector_load %arg8[%get3A_46] {strides = array<i32>} : memref<4096xi32, #tpu.memory_space<vmem>>, vector<16xi32>,
      %get3A_48 = arith.constant 16 : index
      %get3A_49 = tpu.vector_load %arg7[%get3A_48] {strides = array<i32>} : memref<4096xi32, #tpu.memory_space<vmem>>, vector<16xi32>,
      %get3A_50 = arith.constant 16 : index
      %get3A_51 = tpu.vector_load %arg8[%get3A_50] {strides = array<i32>} : memref<4096xi32, #tpu.memory_space<vmem>>, vector<16xi32>,
      %get3A_52 = arith.constant 0 : i32
      %get3A_53 = arith.index_cast %get3A_52 : i32 to index
      %get3A_54 = arith.constant 0 : index
      %get3A_55 = tpu.vector_load %arg9[%get3A_53, %get3A_54] {strides = array<i32>} : memref<4x4096xf32, #tpu.memory_space<vmem>>, vector<16xf32>,
      %get3A_56 = arith.constant 1 : i32
      %get3A_57 = arith.index_cast %get3A_56 : i32 to index
      %get3A_58 = arith.constant 0 : index
      %get3A_59 = tpu.vector_load %arg9[%get3A_57, %get3A_58] {strides = array<i32>} : memref<4x4096xf32, #tpu.memory_space<vmem>>, vector<16xf32>,
      %get3A_60 = arith.constant 2 : i32
      %get3A_61 = arith.index_cast %get3A_60 : i32 to index
      %get3A_62 = arith.constant 0 : index
      %get3A_63 = tpu.vector_load %arg9[%get3A_61, %get3A_62] {strides = array<i32>} : memref<4x4096xf32, #tpu.memory_space<vmem>>, vector<16xf32>,
      %get3A_64 = arith.constant 3 : i32
      %get3A_65 = arith.index_cast %get3A_64 : i32 to index
      %get3A_66 = arith.constant 0 : index
      %get3A_67 = tpu.vector_load %arg9[%get3A_65, %get3A_66] {strides = array<i32>} : memref<4x4096xf32, #tpu.memory_space<vmem>>, vector<16xf32>,
      %broadcast_in_dim3A = arith.constant 0 : i32
      %broadcast_in_dim3A_68 = vector.broadcast %broadcast_in_dim3A : i32 to vector<16xi32>
      %gather3A = tpu.vector_load_idx %arg10[%broadcast_in_dim3A_68, %get3A_45] : memref<4x4096xf32, #tpu.memory_space<vmem>>[vector<16xi32>, vector<16xi32>], vector<16xf32>,
      %gather3A_69 = tpu.vector_load_idx %arg10[%broadcast_in_dim3A_68, %get3A_47] : memref<4x4096xf32, #tpu.memory_space<vmem>>[vector<16xi32>, vector<16xi32>], vector<16xf32>,
      %broadcast_in_dim3A_70 = arith.constant 1 : i32
      %broadcast_in_dim3A_71 = vector.broadcast %broadcast_in_dim3A_70 : i32 to vector<16xi32>
      %gather3A_72 = tpu.vector_load_idx %arg10[%broadcast_in_dim3A_71, %get3A_45] : memref<4x4096xf32, #tpu.memory_space<vmem>>[vector<16xi32>, vector<16xi32>], vector<16xf32>,
      %gather3A_73 = tpu.vector_load_idx %arg10[%broadcast_in_dim3A_71, %get3A_47] : memref<4x4096xf32, #tpu.memory_space<vmem>>[vector<16xi32>, vector<16xi32>], vector<16xf32>,
      %broadcast_in_dim3A_74 = arith.constant 2 : i32
      %broadcast_in_dim3A_75 = vector.broadcast %broadcast_in_dim3A_74 : i32 to vector<16xi32>
      %gather3A_76 = tpu.vector_load_idx %arg10[%broadcast_in_dim3A_75, %get3A_45] : memref<4x4096xf32, #tpu.memory_space<vmem>>[vector<16xi32>, vector<16xi32>], vector<16xf32>,
      %gather3A_77 = tpu.vector_load_idx %arg10[%broadcast_in_dim3A_75, %get3A_47] : memref<4x4096xf32, #tpu.memory_space<vmem>>[vector<16xi32>, vector<16xi32>], vector<16xf32>,
      %broadcast_in_dim3A_78 = arith.constant 3 : i32
      %broadcast_in_dim3A_79 = vector.broadcast %broadcast_in_dim3A_78 : i32 to vector<16xi32>
      %gather3A_80 = tpu.vector_load_idx %arg10[%broadcast_in_dim3A_79, %get3A_45] : memref<4x4096xf32, #tpu.memory_space<vmem>>[vector<16xi32>, vector<16xi32>], vector<16xf32>,
      %gather3A_81 = tpu.vector_load_idx %arg10[%broadcast_in_dim3A_79, %get3A_47] : memref<4x4096xf32, #tpu.memory_space<vmem>>[vector<16xi32>, vector<16xi32>], vector<16xf32>,
      %scan3A_82 = arith.constant 0 : i32
      %scan3A_83 = arith.constant 256 : i32
      %scan3A_84 = arith.addi %scan3A_82, %scan3A_83 : i32
      %scan3A_85 = arith.constant 1 : i32
      %scan3A_86:14 = scf.for %scan3A_169 = %scan3A_82 to %scan3A_84 step %scan3A_85 iter_args(%scan3A_170 = %get3A_49, %scan3A_171 = %get3A_51, %scan3A_172 = %get3A_55, %scan3A_173 = %get3A_59, %scan3A_174 = %get3A_63, %scan3A_175 = %get3A_67, %scan3A_176 = %gather3A, %scan3A_177 = %gather3A_69, %scan3A_178 = %gather3A_72, %scan3A_179 = %gather3A_73, %scan3A_180 = %gather3A_76, %scan3A_181 = %gather3A_77, %scan3A_182 = %gather3A_80, %scan3A_183 = %gather3A_81) -> (vector<16xi32>, vector<16xi32>, vector<16xf32>, vector<16xf32>, vector<16xf32>, vector<16xf32>, vector<16xf32>, vector<16xf32>, vector<16xf32>, vector<16xf32>, vector<16xf32>, vector<16xf32>, vector<16xf32>, vector<16xf32>)  : i32 {
        %mul3A_184 = arith.constant 1 : i32
        %mul3A_185 = arith.muli %scan3A_169, %mul3A_184 : i32
        %add3A_186 = arith.constant 0 : i32
        %add3A_187 = arith.addi %add3A_186, %mul3A_185 : i32
        %add3A_188 = arith.constant 2 : i32
        %add3A_189 = arith.addi %add3A_187, %add3A_188 : i32
        %min3A = arith.constant 255 : i32
        %min3A_190 = arith.minsi %add3A_189, %min3A : i32
        %mul3A_191 = arith.constant 16 : i32
        %mul3A_192 = arith.muli %min3A_190, %mul3A_191 : i32
        %get3A_193 = arith.index_cast %mul3A_192 : i32 to index
        %get3A_194 = tpu.vector_load %arg7[%get3A_193] {strides = array<i32>} : memref<4096xi32, #tpu.memory_space<vmem>>, vector<16xi32>,
        %get3A_195 = arith.index_cast %mul3A_192 : i32 to index
        %get3A_196 = tpu.vector_load %arg8[%get3A_195] {strides = array<i32>} : memref<4096xi32, #tpu.memory_space<vmem>>, vector<16xi32>,
        %add3A_197 = arith.constant 1 : i32
        %add3A_198 = arith.addi %add3A_187, %add3A_197 : i32
        %min3A_199 = arith.constant 255 : i32
        %min3A_200 = arith.minsi %add3A_198, %min3A_199 : i32
        %mul3A_201 = arith.constant 16 : i32
        %mul3A_202 = arith.muli %min3A_200, %mul3A_201 : i32
        %get3A_203 = arith.constant 0 : i32
        %get3A_204 = arith.index_cast %get3A_203 : i32 to index
        %get3A_205 = arith.index_cast %mul3A_202 : i32 to index
        %get3A_206 = tpu.vector_load %arg9[%get3A_204, %get3A_205] {strides = array<i32>} : memref<4x4096xf32, #tpu.memory_space<vmem>>, vector<16xf32>,
        %get3A_207 = arith.constant 1 : i32
        %get3A_208 = arith.index_cast %get3A_207 : i32 to index
        %get3A_209 = arith.index_cast %mul3A_202 : i32 to index
        %get3A_210 = tpu.vector_load %arg9[%get3A_208, %get3A_209] {strides = array<i32>} : memref<4x4096xf32, #tpu.memory_space<vmem>>, vector<16xf32>,
        %get3A_211 = arith.constant 2 : i32
        %get3A_212 = arith.index_cast %get3A_211 : i32 to index
        %get3A_213 = arith.index_cast %mul3A_202 : i32 to index
        %get3A_214 = tpu.vector_load %arg9[%get3A_212, %get3A_213] {strides = array<i32>} : memref<4x4096xf32, #tpu.memory_space<vmem>>, vector<16xf32>,
        %get3A_215 = arith.constant 3 : i32
        %get3A_216 = arith.index_cast %get3A_215 : i32 to index
        %get3A_217 = arith.index_cast %mul3A_202 : i32 to index
        %get3A_218 = tpu.vector_load %arg9[%get3A_216, %get3A_217] {strides = array<i32>} : memref<4x4096xf32, #tpu.memory_space<vmem>>, vector<16xf32>,
        %broadcast_in_dim3A_219 = arith.constant 0 : i32
        %broadcast_in_dim3A_220 = vector.broadcast %broadcast_in_dim3A_219 : i32 to vector<16xi32>
        %gather3A_221 = tpu.vector_load_idx %arg10[%broadcast_in_dim3A_220, %scan3A_170] : memref<4x4096xf32, #tpu.memory_space<vmem>>[vector<16xi32>, vector<16xi32>], vector<16xf32>,
        %gather3A_222 = tpu.vector_load_idx %arg10[%broadcast_in_dim3A_220, %scan3A_171] : memref<4x4096xf32, #tpu.memory_space<vmem>>[vector<16xi32>, vector<16xi32>], vector<16xf32>,
        %broadcast_in_dim3A_223 = arith.constant 1 : i32
        %broadcast_in_dim3A_224 = vector.broadcast %broadcast_in_dim3A_223 : i32 to vector<16xi32>
        %gather3A_225 = tpu.vector_load_idx %arg10[%broadcast_in_dim3A_224, %scan3A_170] : memref<4x4096xf32, #tpu.memory_space<vmem>>[vector<16xi32>, vector<16xi32>], vector<16xf32>,
        %gather3A_226 = tpu.vector_load_idx %arg10[%broadcast_in_dim3A_224, %scan3A_171] : memref<4x4096xf32, #tpu.memory_space<vmem>>[vector<16xi32>, vector<16xi32>], vector<16xf32>,
        %broadcast_in_dim3A_227 = arith.constant 2 : i32
        %broadcast_in_dim3A_228 = vector.broadcast %broadcast_in_dim3A_227 : i32 to vector<16xi32>
        %gather3A_229 = tpu.vector_load_idx %arg10[%broadcast_in_dim3A_228, %scan3A_170] : memref<4x4096xf32, #tpu.memory_space<vmem>>[vector<16xi32>, vector<16xi32>], vector<16xf32>,
        %gather3A_230 = tpu.vector_load_idx %arg10[%broadcast_in_dim3A_228, %scan3A_171] : memref<4x4096xf32, #tpu.memory_space<vmem>>[vector<16xi32>, vector<16xi32>], vector<16xf32>,
        %broadcast_in_dim3A_231 = arith.constant 3 : i32
        %broadcast_in_dim3A_232 = vector.broadcast %broadcast_in_dim3A_231 : i32 to vector<16xi32>
        %gather3A_233 = tpu.vector_load_idx %arg10[%broadcast_in_dim3A_232, %scan3A_170] : memref<4x4096xf32, #tpu.memory_space<vmem>>[vector<16xi32>, vector<16xi32>], vector<16xf32>,
        %gather3A_234 = tpu.vector_load_idx %arg10[%broadcast_in_dim3A_232, %scan3A_171] : memref<4x4096xf32, #tpu.memory_space<vmem>>[vector<16xi32>, vector<16xi32>], vector<16xf32>,
        %mul3A_235 = arith.constant 16 : i32
        %mul3A_236 = arith.muli %add3A_187, %mul3A_235 : i32
        %mul3A_237 = arith.mulf %scan3A_175, %scan3A_177 : vector<16xf32>
        %add3A_238 = arith.addf %scan3A_173, %mul3A_237 : vector<16xf32>
        %mul3A_239 = arith.mulf %scan3A_176, %add3A_238 : vector<16xf32>
        %add3A_240 = arith.addf %scan3A_172, %mul3A_239 : vector<16xf32>
        %mul3A_241 = arith.mulf %scan3A_174, %scan3A_177 : vector<16xf32>
        %add3A_242 = arith.addf %add3A_240, %mul3A_241 : vector<16xf32>
        %swap3A = arith.constant 0 : i32
        %swap3A_243 = arith.index_cast %swap3A : i32 to index
        %swap3A_244 = arith.index_cast %mul3A_236 : i32 to index
        %swap3A_245 = tpu.vector_load %arg12[%swap3A_243, %swap3A_244] {strides = array<i32>} : memref<4x4096xf32, #tpu.memory_space<vmem>>, vector<16xf32>,
        tpu.vector_store %arg12[%swap3A_243, %swap3A_244], %add3A_242 {strides = array<i32>} : memref<4x4096xf32, #tpu.memory_space<vmem>>, vector<16xf32>,
        %mul3A_246 = arith.mulf %scan3A_175, %scan3A_179 : vector<16xf32>
        %add3A_247 = arith.addf %scan3A_173, %mul3A_246 : vector<16xf32>
        %mul3A_248 = arith.mulf %scan3A_178, %add3A_247 : vector<16xf32>
        %add3A_249 = arith.addf %scan3A_172, %mul3A_248 : vector<16xf32>
        %mul3A_250 = arith.mulf %scan3A_174, %scan3A_179 : vector<16xf32>
        %add3A_251 = arith.addf %add3A_249, %mul3A_250 : vector<16xf32>
        %swap3A_252 = arith.constant 1 : i32
        %swap3A_253 = arith.index_cast %swap3A_252 : i32 to index
        %swap3A_254 = arith.index_cast %mul3A_236 : i32 to index
        %swap3A_255 = tpu.vector_load %arg12[%swap3A_253, %swap3A_254] {strides = array<i32>} : memref<4x4096xf32, #tpu.memory_space<vmem>>, vector<16xf32>,
        tpu.vector_store %arg12[%swap3A_253, %swap3A_254], %add3A_251 {strides = array<i32>} : memref<4x4096xf32, #tpu.memory_space<vmem>>, vector<16xf32>,
        %mul3A_256 = arith.mulf %scan3A_175, %scan3A_181 : vector<16xf32>
        %add3A_257 = arith.addf %scan3A_173, %mul3A_256 : vector<16xf32>
        %mul3A_258 = arith.mulf %scan3A_180, %add3A_257 : vector<16xf32>
        %add3A_259 = arith.addf %scan3A_172, %mul3A_258 : vector<16xf32>
        %mul3A_260 = arith.mulf %scan3A_174, %scan3A_181 : vector<16xf32>
        %add3A_261 = arith.addf %add3A_259, %mul3A_260 : vector<16xf32>
        %swap3A_262 = arith.constant 2 : i32
        %swap3A_263 = arith.index_cast %swap3A_262 : i32 to index
        %swap3A_264 = arith.index_cast %mul3A_236 : i32 to index
        %swap3A_265 = tpu.vector_load %arg12[%swap3A_263, %swap3A_264] {strides = array<i32>} : memref<4x4096xf32, #tpu.memory_space<vmem>>, vector<16xf32>,
        tpu.vector_store %arg12[%swap3A_263, %swap3A_264], %add3A_261 {strides = array<i32>} : memref<4x4096xf32, #tpu.memory_space<vmem>>, vector<16xf32>,
        %mul3A_266 = arith.mulf %scan3A_175, %scan3A_183 : vector<16xf32>
        %add3A_267 = arith.addf %scan3A_173, %mul3A_266 : vector<16xf32>
        %mul3A_268 = arith.mulf %scan3A_182, %add3A_267 : vector<16xf32>
        %add3A_269 = arith.addf %scan3A_172, %mul3A_268 : vector<16xf32>
        %mul3A_270 = arith.mulf %scan3A_174, %scan3A_183 : vector<16xf32>
        %add3A_271 = arith.addf %add3A_269, %mul3A_270 : vector<16xf32>
        %swap3A_272 = arith.constant 3 : i32
        %swap3A_273 = arith.index_cast %swap3A_272 : i32 to index
        %swap3A_274 = arith.index_cast %mul3A_236 : i32 to index
        %swap3A_275 = tpu.vector_load %arg12[%swap3A_273, %swap3A_274] {strides = array<i32>} : memref<4x4096xf32, #tpu.memory_space<vmem>>, vector<16xf32>,
        tpu.vector_store %arg12[%swap3A_273, %swap3A_274], %add3A_271 {strides = array<i32>} : memref<4x4096xf32, #tpu.memory_space<vmem>>, vector<16xf32>,
        scf.yield %get3A_194, %get3A_196, %get3A_206, %get3A_210, %get3A_214, %get3A_218, %gather3A_221, %gather3A_222, %gather3A_225, %gather3A_226, %gather3A_229, %gather3A_230, %gather3A_233, %gather3A_234 : vector<16xi32>, vector<16xi32>, vector<16xf32>, vector<16xf32>, vector<16xf32>, vector<16xf32>, vector<16xf32>, vector<16xf32>, vector<16xf32>, vector<16xf32>, vector<16xf32>, vector<16xf32>, vector<16xf32>, vector<16xf32>
      }
      %scan3A_87 = arith.constant 256 : i32
      %dma_start3A_88 = arith.constant 0 : i32
      %dma_start3A_89 = tpu.memref_slice %arg6[%add3A_38, %dma_start3A_88] : memref<16384x4096xf32, #tpu.memory_space<hbm>> -> memref<4x4096xf32, #tpu.memory_space<hbm>>
      %dma_start3A_90 = arith.constant 0 : i32
      %dma_start3A_91 = tpu.memref_slice %arg6[%add3A_38, %dma_start3A_90] : memref<16384x4096xf32, #tpu.memory_space<hbm>> -> memref<4x4096xf32, #tpu.memory_space<hbm>>
      tpu.enqueue_dma source(%arg12 : memref<4x4096xf32, #tpu.memory_space<vmem>>) target(%dma_start3A_91 : memref<4x4096xf32, #tpu.memory_space<hbm>>) target_semaphore(%arg16 : memref<!tpu.dma_semaphore, #tpu.memory_space<semaphore_mem>>)
      %add3A_92 = arith.constant 2 : i32
      %add3A_93 = arith.addi %add3A_35, %add3A_92 : i32
      %lt3A = arith.constant 128 : i32
      %lt3A_94 = arith.cmpi slt, %add3A_93, %lt3A : i32
      %convert_element_type3A_95 = arith.extui %lt3A_94 : i1 to i32
      %cond3A_96 = arith.constant 0 : i32
      %cond3A_97 = arith.cmpi ne, %convert_element_type3A_95, %cond3A_96 : i32
      scf.if %cond3A_97 {
        %add3A_169 = arith.constant 8 : i32
        %add3A_170 = arith.addi %add3A_38, %add3A_169 : i32
        %dma_start3A_171 = arith.constant 0 : i32
        %dma_start3A_172 = tpu.memref_slice %arg2[%add3A_170, %dma_start3A_171] : memref<16384x4096xf32, #tpu.memory_space<hbm>> -> memref<4x4096xf32, #tpu.memory_space<hbm>>
        %dma_start3A_173 = arith.constant 0 : i32
        %dma_start3A_174 = tpu.memref_slice %arg2[%add3A_170, %dma_start3A_173] : memref<16384x4096xf32, #tpu.memory_space<hbm>> -> memref<4x4096xf32, #tpu.memory_space<hbm>>
        tpu.enqueue_dma source(%dma_start3A_174 : memref<4x4096xf32, #tpu.memory_space<hbm>>) target(%arg10 : memref<4x4096xf32, #tpu.memory_space<vmem>>) target_semaphore(%arg14 : memref<!tpu.dma_semaphore, #tpu.memory_space<semaphore_mem>>)
      } else {
      }
      %add3A_98 = arith.constant 1 : i32
      %add3A_99 = arith.addi %add3A_33, %add3A_98 : i32
      %mul3A_100 = arith.constant 4 : i32
      %mul3A_101 = arith.muli %add3A_99, %mul3A_100 : i32
      %add3A_102 = arith.addi %mul3A_2, %mul3A_101 : i32
      %dma_wait3A_103 = arith.constant 0 : i32
      %dma_wait3A_104 = tpu.memref_slice %arg2[%add3A_102, %dma_wait3A_103] : memref<16384x4096xf32, #tpu.memory_space<hbm>> -> memref<4x4096xf32, #tpu.memory_space<hbm>>
      %dma_wait3A_105 = arith.constant 0 : i32
      %dma_wait3A_106 = tpu.memref_slice %arg2[%add3A_102, %dma_wait3A_105] : memref<16384x4096xf32, #tpu.memory_space<hbm>> -> memref<4x4096xf32, #tpu.memory_space<hbm>>
      tpu.wait_dma2 semaphore(%arg15 : memref<!tpu.dma_semaphore, #tpu.memory_space<semaphore_mem>>) src(%dma_wait3A_106 : memref<4x4096xf32, #tpu.memory_space<hbm>>) dst(%arg11 : memref<4x4096xf32, #tpu.memory_space<vmem>>)
      %gt3A_107 = arith.constant 0 : i32
      %gt3A_108 = arith.cmpi sgt, %add3A_33, %gt3A_107 : i32
      %convert_element_type3A_109 = arith.extui %gt3A_108 : i1 to i32
      %cond3A_110 = arith.constant 0 : i32
      %cond3A_111 = arith.cmpi ne, %convert_element_type3A_109, %cond3A_110 : i32
      scf.if %cond3A_111 {
        %sub3A = arith.constant 8 : i32
        %sub3A_169 = arith.subi %add3A_102, %sub3A : i32
        %dma_wait3A_170 = arith.constant 0 : i32
        %dma_wait3A_171 = tpu.memref_slice %arg6[%sub3A_169, %dma_wait3A_170] : memref<16384x4096xf32, #tpu.memory_space<hbm>> -> memref<4x4096xf32, #tpu.memory_space<hbm>>
        %dma_wait3A_172 = arith.constant 0 : i32
        %dma_wait3A_173 = tpu.memref_slice %arg6[%sub3A_169, %dma_wait3A_172] : memref<16384x4096xf32, #tpu.memory_space<hbm>> -> memref<4x4096xf32, #tpu.memory_space<hbm>>
        tpu.wait_dma2 semaphore(%arg17 : memref<!tpu.dma_semaphore, #tpu.memory_space<semaphore_mem>>) src(%arg13 : memref<4x4096xf32, #tpu.memory_space<vmem>>) dst(%dma_wait3A_173 : memref<4x4096xf32, #tpu.memory_space<hbm>>)
      } else {
      }
      %get3A_112 = arith.constant 0 : index
      %get3A_113 = tpu.vector_load %arg7[%get3A_112] {strides = array<i32>} : memref<4096xi32, #tpu.memory_space<vmem>>, vector<16xi32>,
      %get3A_114 = arith.constant 0 : index
      %get3A_115 = tpu.vector_load %arg8[%get3A_114] {strides = array<i32>} : memref<4096xi32, #tpu.memory_space<vmem>>, vector<16xi32>,
      %get3A_116 = arith.constant 16 : index
      %get3A_117 = tpu.vector_load %arg7[%get3A_116] {strides = array<i32>} : memref<4096xi32, #tpu.memory_space<vmem>>, vector<16xi32>,
      %get3A_118 = arith.constant 16 : index
      %get3A_119 = tpu.vector_load %arg8[%get3A_118] {strides = array<i32>} : memref<4096xi32, #tpu.memory_space<vmem>>, vector<16xi32>,
      %get3A_120 = arith.constant 0 : i32
      %get3A_121 = arith.index_cast %get3A_120 : i32 to index
      %get3A_122 = arith.constant 0 : index
      %get3A_123 = tpu.vector_load %arg9[%get3A_121, %get3A_122] {strides = array<i32>} : memref<4x4096xf32, #tpu.memory_space<vmem>>, vector<16xf32>,
      %get3A_124 = arith.constant 1 : i32
      %get3A_125 = arith.index_cast %get3A_124 : i32 to index
      %get3A_126 = arith.constant 0 : index
      %get3A_127 = tpu.vector_load %arg9[%get3A_125, %get3A_126] {strides = array<i32>} : memref<4x4096xf32, #tpu.memory_space<vmem>>, vector<16xf32>,
      %get3A_128 = arith.constant 2 : i32
      %get3A_129 = arith.index_cast %get3A_128 : i32 to index
      %get3A_130 = arith.constant 0 : index
      %get3A_131 = tpu.vector_load %arg9[%get3A_129, %get3A_130] {strides = array<i32>} : memref<4x4096xf32, #tpu.memory_space<vmem>>, vector<16xf32>,
      %get3A_132 = arith.constant 3 : i32
      %get3A_133 = arith.index_cast %get3A_132 : i32 to index
      %get3A_134 = arith.constant 0 : index
      %get3A_135 = tpu.vector_load %arg9[%get3A_133, %get3A_134] {strides = array<i32>} : memref<4x4096xf32, #tpu.memory_space<vmem>>, vector<16xf32>,
      %broadcast_in_dim3A_136 = arith.constant 0 : i32
      %broadcast_in_dim3A_137 = vector.broadcast %broadcast_in_dim3A_136 : i32 to vector<16xi32>
      %gather3A_138 = tpu.vector_load_idx %arg11[%broadcast_in_dim3A_137, %get3A_113] : memref<4x4096xf32, #tpu.memory_space<vmem>>[vector<16xi32>, vector<16xi32>], vector<16xf32>,
      %gather3A_139 = tpu.vector_load_idx %arg11[%broadcast_in_dim3A_137, %get3A_115] : memref<4x4096xf32, #tpu.memory_space<vmem>>[vector<16xi32>, vector<16xi32>], vector<16xf32>,
      %broadcast_in_dim3A_140 = arith.constant 1 : i32
      %broadcast_in_dim3A_141 = vector.broadcast %broadcast_in_dim3A_140 : i32 to vector<16xi32>
      %gather3A_142 = tpu.vector_load_idx %arg11[%broadcast_in_dim3A_141, %get3A_113] : memref<4x4096xf32, #tpu.memory_space<vmem>>[vector<16xi32>, vector<16xi32>], vector<16xf32>,
      %gather3A_143 = tpu.vector_load_idx %arg11[%broadcast_in_dim3A_141, %get3A_115] : memref<4x4096xf32, #tpu.memory_space<vmem>>[vector<16xi32>, vector<16xi32>], vector<16xf32>,
      %broadcast_in_dim3A_144 = arith.constant 2 : i32
      %broadcast_in_dim3A_145 = vector.broadcast %broadcast_in_dim3A_144 : i32 to vector<16xi32>
      %gather3A_146 = tpu.vector_load_idx %arg11[%broadcast_in_dim3A_145, %get3A_113] : memref<4x4096xf32, #tpu.memory_space<vmem>>[vector<16xi32>, vector<16xi32>], vector<16xf32>,
      %gather3A_147 = tpu.vector_load_idx %arg11[%broadcast_in_dim3A_145, %get3A_115] : memref<4x4096xf32, #tpu.memory_space<vmem>>[vector<16xi32>, vector<16xi32>], vector<16xf32>,
      %broadcast_in_dim3A_148 = arith.constant 3 : i32
      %broadcast_in_dim3A_149 = vector.broadcast %broadcast_in_dim3A_148 : i32 to vector<16xi32>
      %gather3A_150 = tpu.vector_load_idx %arg11[%broadcast_in_dim3A_149, %get3A_113] : memref<4x4096xf32, #tpu.memory_space<vmem>>[vector<16xi32>, vector<16xi32>], vector<16xf32>,
      %gather3A_151 = tpu.vector_load_idx %arg11[%broadcast_in_dim3A_149, %get3A_115] : memref<4x4096xf32, #tpu.memory_space<vmem>>[vector<16xi32>, vector<16xi32>], vector<16xf32>,
      %scan3A_152 = arith.constant 0 : i32
      %scan3A_153 = arith.constant 256 : i32
      %scan3A_154 = arith.addi %scan3A_152, %scan3A_153 : i32
      %scan3A_155 = arith.constant 1 : i32
      %scan3A_156:14 = scf.for %scan3A_169 = %scan3A_152 to %scan3A_154 step %scan3A_155 iter_args(%scan3A_170 = %get3A_117, %scan3A_171 = %get3A_119, %scan3A_172 = %get3A_123, %scan3A_173 = %get3A_127, %scan3A_174 = %get3A_131, %scan3A_175 = %get3A_135, %scan3A_176 = %gather3A_138, %scan3A_177 = %gather3A_139, %scan3A_178 = %gather3A_142, %scan3A_179 = %gather3A_143, %scan3A_180 = %gather3A_146, %scan3A_181 = %gather3A_147, %scan3A_182 = %gather3A_150, %scan3A_183 = %gather3A_151) -> (vector<16xi32>, vector<16xi32>, vector<16xf32>, vector<16xf32>, vector<16xf32>, vector<16xf32>, vector<16xf32>, vector<16xf32>, vector<16xf32>, vector<16xf32>, vector<16xf32>, vector<16xf32>, vector<16xf32>, vector<16xf32>)  : i32 {
        %mul3A_184 = arith.constant 1 : i32
        %mul3A_185 = arith.muli %scan3A_169, %mul3A_184 : i32
        %add3A_186 = arith.constant 0 : i32
        %add3A_187 = arith.addi %add3A_186, %mul3A_185 : i32
        %add3A_188 = arith.constant 2 : i32
        %add3A_189 = arith.addi %add3A_187, %add3A_188 : i32
        %min3A = arith.constant 255 : i32
        %min3A_190 = arith.minsi %add3A_189, %min3A : i32
        %mul3A_191 = arith.constant 16 : i32
        %mul3A_192 = arith.muli %min3A_190, %mul3A_191 : i32
        %get3A_193 = arith.index_cast %mul3A_192 : i32 to index
        %get3A_194 = tpu.vector_load %arg7[%get3A_193] {strides = array<i32>} : memref<4096xi32, #tpu.memory_space<vmem>>, vector<16xi32>,
        %get3A_195 = arith.index_cast %mul3A_192 : i32 to index
        %get3A_196 = tpu.vector_load %arg8[%get3A_195] {strides = array<i32>} : memref<4096xi32, #tpu.memory_space<vmem>>, vector<16xi32>,
        %add3A_197 = arith.constant 1 : i32
        %add3A_198 = arith.addi %add3A_187, %add3A_197 : i32
        %min3A_199 = arith.constant 255 : i32
        %min3A_200 = arith.minsi %add3A_198, %min3A_199 : i32
        %mul3A_201 = arith.constant 16 : i32
        %mul3A_202 = arith.muli %min3A_200, %mul3A_201 : i32
        %get3A_203 = arith.constant 0 : i32
        %get3A_204 = arith.index_cast %get3A_203 : i32 to index
        %get3A_205 = arith.index_cast %mul3A_202 : i32 to index
        %get3A_206 = tpu.vector_load %arg9[%get3A_204, %get3A_205] {strides = array<i32>} : memref<4x4096xf32, #tpu.memory_space<vmem>>, vector<16xf32>,
        %get3A_207 = arith.constant 1 : i32
        %get3A_208 = arith.index_cast %get3A_207 : i32 to index
        %get3A_209 = arith.index_cast %mul3A_202 : i32 to index
        %get3A_210 = tpu.vector_load %arg9[%get3A_208, %get3A_209] {strides = array<i32>} : memref<4x4096xf32, #tpu.memory_space<vmem>>, vector<16xf32>,
        %get3A_211 = arith.constant 2 : i32
        %get3A_212 = arith.index_cast %get3A_211 : i32 to index
        %get3A_213 = arith.index_cast %mul3A_202 : i32 to index
        %get3A_214 = tpu.vector_load %arg9[%get3A_212, %get3A_213] {strides = array<i32>} : memref<4x4096xf32, #tpu.memory_space<vmem>>, vector<16xf32>,
        %get3A_215 = arith.constant 3 : i32
        %get3A_216 = arith.index_cast %get3A_215 : i32 to index
        %get3A_217 = arith.index_cast %mul3A_202 : i32 to index
        %get3A_218 = tpu.vector_load %arg9[%get3A_216, %get3A_217] {strides = array<i32>} : memref<4x4096xf32, #tpu.memory_space<vmem>>, vector<16xf32>,
        %broadcast_in_dim3A_219 = arith.constant 0 : i32
        %broadcast_in_dim3A_220 = vector.broadcast %broadcast_in_dim3A_219 : i32 to vector<16xi32>
        %gather3A_221 = tpu.vector_load_idx %arg11[%broadcast_in_dim3A_220, %scan3A_170] : memref<4x4096xf32, #tpu.memory_space<vmem>>[vector<16xi32>, vector<16xi32>], vector<16xf32>,
        %gather3A_222 = tpu.vector_load_idx %arg11[%broadcast_in_dim3A_220, %scan3A_171] : memref<4x4096xf32, #tpu.memory_space<vmem>>[vector<16xi32>, vector<16xi32>], vector<16xf32>,
        %broadcast_in_dim3A_223 = arith.constant 1 : i32
        %broadcast_in_dim3A_224 = vector.broadcast %broadcast_in_dim3A_223 : i32 to vector<16xi32>
        %gather3A_225 = tpu.vector_load_idx %arg11[%broadcast_in_dim3A_224, %scan3A_170] : memref<4x4096xf32, #tpu.memory_space<vmem>>[vector<16xi32>, vector<16xi32>], vector<16xf32>,
        %gather3A_226 = tpu.vector_load_idx %arg11[%broadcast_in_dim3A_224, %scan3A_171] : memref<4x4096xf32, #tpu.memory_space<vmem>>[vector<16xi32>, vector<16xi32>], vector<16xf32>,
        %broadcast_in_dim3A_227 = arith.constant 2 : i32
        %broadcast_in_dim3A_228 = vector.broadcast %broadcast_in_dim3A_227 : i32 to vector<16xi32>
        %gather3A_229 = tpu.vector_load_idx %arg11[%broadcast_in_dim3A_228, %scan3A_170] : memref<4x4096xf32, #tpu.memory_space<vmem>>[vector<16xi32>, vector<16xi32>], vector<16xf32>,
        %gather3A_230 = tpu.vector_load_idx %arg11[%broadcast_in_dim3A_228, %scan3A_171] : memref<4x4096xf32, #tpu.memory_space<vmem>>[vector<16xi32>, vector<16xi32>], vector<16xf32>,
        %broadcast_in_dim3A_231 = arith.constant 3 : i32
        %broadcast_in_dim3A_232 = vector.broadcast %broadcast_in_dim3A_231 : i32 to vector<16xi32>
        %gather3A_233 = tpu.vector_load_idx %arg11[%broadcast_in_dim3A_232, %scan3A_170] : memref<4x4096xf32, #tpu.memory_space<vmem>>[vector<16xi32>, vector<16xi32>], vector<16xf32>,
        %gather3A_234 = tpu.vector_load_idx %arg11[%broadcast_in_dim3A_232, %scan3A_171] : memref<4x4096xf32, #tpu.memory_space<vmem>>[vector<16xi32>, vector<16xi32>], vector<16xf32>,
        %mul3A_235 = arith.constant 16 : i32
        %mul3A_236 = arith.muli %add3A_187, %mul3A_235 : i32
        %mul3A_237 = arith.mulf %scan3A_175, %scan3A_177 : vector<16xf32>
        %add3A_238 = arith.addf %scan3A_173, %mul3A_237 : vector<16xf32>
        %mul3A_239 = arith.mulf %scan3A_176, %add3A_238 : vector<16xf32>
        %add3A_240 = arith.addf %scan3A_172, %mul3A_239 : vector<16xf32>
        %mul3A_241 = arith.mulf %scan3A_174, %scan3A_177 : vector<16xf32>
        %add3A_242 = arith.addf %add3A_240, %mul3A_241 : vector<16xf32>
        %swap3A = arith.constant 0 : i32
        %swap3A_243 = arith.index_cast %swap3A : i32 to index
        %swap3A_244 = arith.index_cast %mul3A_236 : i32 to index
        %swap3A_245 = tpu.vector_load %arg13[%swap3A_243, %swap3A_244] {strides = array<i32>} : memref<4x4096xf32, #tpu.memory_space<vmem>>, vector<16xf32>,
        tpu.vector_store %arg13[%swap3A_243, %swap3A_244], %add3A_242 {strides = array<i32>} : memref<4x4096xf32, #tpu.memory_space<vmem>>, vector<16xf32>,
        %mul3A_246 = arith.mulf %scan3A_175, %scan3A_179 : vector<16xf32>
        %add3A_247 = arith.addf %scan3A_173, %mul3A_246 : vector<16xf32>
        %mul3A_248 = arith.mulf %scan3A_178, %add3A_247 : vector<16xf32>
        %add3A_249 = arith.addf %scan3A_172, %mul3A_248 : vector<16xf32>
        %mul3A_250 = arith.mulf %scan3A_174, %scan3A_179 : vector<16xf32>
        %add3A_251 = arith.addf %add3A_249, %mul3A_250 : vector<16xf32>
        %swap3A_252 = arith.constant 1 : i32
        %swap3A_253 = arith.index_cast %swap3A_252 : i32 to index
        %swap3A_254 = arith.index_cast %mul3A_236 : i32 to index
        %swap3A_255 = tpu.vector_load %arg13[%swap3A_253, %swap3A_254] {strides = array<i32>} : memref<4x4096xf32, #tpu.memory_space<vmem>>, vector<16xf32>,
        tpu.vector_store %arg13[%swap3A_253, %swap3A_254], %add3A_251 {strides = array<i32>} : memref<4x4096xf32, #tpu.memory_space<vmem>>, vector<16xf32>,
        %mul3A_256 = arith.mulf %scan3A_175, %scan3A_181 : vector<16xf32>
        %add3A_257 = arith.addf %scan3A_173, %mul3A_256 : vector<16xf32>
        %mul3A_258 = arith.mulf %scan3A_180, %add3A_257 : vector<16xf32>
        %add3A_259 = arith.addf %scan3A_172, %mul3A_258 : vector<16xf32>
        %mul3A_260 = arith.mulf %scan3A_174, %scan3A_181 : vector<16xf32>
        %add3A_261 = arith.addf %add3A_259, %mul3A_260 : vector<16xf32>
        %swap3A_262 = arith.constant 2 : i32
        %swap3A_263 = arith.index_cast %swap3A_262 : i32 to index
        %swap3A_264 = arith.index_cast %mul3A_236 : i32 to index
        %swap3A_265 = tpu.vector_load %arg13[%swap3A_263, %swap3A_264] {strides = array<i32>} : memref<4x4096xf32, #tpu.memory_space<vmem>>, vector<16xf32>,
        tpu.vector_store %arg13[%swap3A_263, %swap3A_264], %add3A_261 {strides = array<i32>} : memref<4x4096xf32, #tpu.memory_space<vmem>>, vector<16xf32>,
        %mul3A_266 = arith.mulf %scan3A_175, %scan3A_183 : vector<16xf32>
        %add3A_267 = arith.addf %scan3A_173, %mul3A_266 : vector<16xf32>
        %mul3A_268 = arith.mulf %scan3A_182, %add3A_267 : vector<16xf32>
        %add3A_269 = arith.addf %scan3A_172, %mul3A_268 : vector<16xf32>
        %mul3A_270 = arith.mulf %scan3A_174, %scan3A_183 : vector<16xf32>
        %add3A_271 = arith.addf %add3A_269, %mul3A_270 : vector<16xf32>
        %swap3A_272 = arith.constant 3 : i32
        %swap3A_273 = arith.index_cast %swap3A_272 : i32 to index
        %swap3A_274 = arith.index_cast %mul3A_236 : i32 to index
        %swap3A_275 = tpu.vector_load %arg13[%swap3A_273, %swap3A_274] {strides = array<i32>} : memref<4x4096xf32, #tpu.memory_space<vmem>>, vector<16xf32>,
        tpu.vector_store %arg13[%swap3A_273, %swap3A_274], %add3A_271 {strides = array<i32>} : memref<4x4096xf32, #tpu.memory_space<vmem>>, vector<16xf32>,
        scf.yield %get3A_194, %get3A_196, %get3A_206, %get3A_210, %get3A_214, %get3A_218, %gather3A_221, %gather3A_222, %gather3A_225, %gather3A_226, %gather3A_229, %gather3A_230, %gather3A_233, %gather3A_234 : vector<16xi32>, vector<16xi32>, vector<16xf32>, vector<16xf32>, vector<16xf32>, vector<16xf32>, vector<16xf32>, vector<16xf32>, vector<16xf32>, vector<16xf32>, vector<16xf32>, vector<16xf32>, vector<16xf32>, vector<16xf32>
      }
      %scan3A_157 = arith.constant 256 : i32
      %dma_start3A_158 = arith.constant 0 : i32
      %dma_start3A_159 = tpu.memref_slice %arg6[%add3A_102, %dma_start3A_158] : memref<16384x4096xf32, #tpu.memory_space<hbm>> -> memref<4x4096xf32, #tpu.memory_space<hbm>>
      %dma_start3A_160 = arith.constant 0 : i32
      %dma_start3A_161 = tpu.memref_slice %arg6[%add3A_102, %dma_start3A_160] : memref<16384x4096xf32, #tpu.memory_space<hbm>> -> memref<4x4096xf32, #tpu.memory_space<hbm>>
      tpu.enqueue_dma source(%arg13 : memref<4x4096xf32, #tpu.memory_space<vmem>>) target(%dma_start3A_161 : memref<4x4096xf32, #tpu.memory_space<hbm>>) target_semaphore(%arg17 : memref<!tpu.dma_semaphore, #tpu.memory_space<semaphore_mem>>)
      %add3A_162 = arith.constant 2 : i32
      %add3A_163 = arith.addi %add3A_99, %add3A_162 : i32
      %lt3A_164 = arith.constant 128 : i32
      %lt3A_165 = arith.cmpi slt, %add3A_163, %lt3A_164 : i32
      %convert_element_type3A_166 = arith.extui %lt3A_165 : i1 to i32
      %cond3A_167 = arith.constant 0 : i32
      %cond3A_168 = arith.cmpi ne, %convert_element_type3A_166, %cond3A_167 : i32
      scf.if %cond3A_168 {
        %add3A_169 = arith.constant 8 : i32
        %add3A_170 = arith.addi %add3A_102, %add3A_169 : i32
        %dma_start3A_171 = arith.constant 0 : i32
        %dma_start3A_172 = tpu.memref_slice %arg2[%add3A_170, %dma_start3A_171] : memref<16384x4096xf32, #tpu.memory_space<hbm>> -> memref<4x4096xf32, #tpu.memory_space<hbm>>
        %dma_start3A_173 = arith.constant 0 : i32
        %dma_start3A_174 = tpu.memref_slice %arg2[%add3A_170, %dma_start3A_173] : memref<16384x4096xf32, #tpu.memory_space<hbm>> -> memref<4x4096xf32, #tpu.memory_space<hbm>>
        tpu.enqueue_dma source(%dma_start3A_174 : memref<4x4096xf32, #tpu.memory_space<hbm>>) target(%arg11 : memref<4x4096xf32, #tpu.memory_space<vmem>>) target_semaphore(%arg15 : memref<!tpu.dma_semaphore, #tpu.memory_space<semaphore_mem>>)
      } else {
      }
    }
    %scan3A_17 = arith.constant 64 : i32
    %add3A_18 = arith.constant 504 : i32
    %add3A_19 = arith.addi %mul3A_2, %add3A_18 : i32
    %dma_wait3A = arith.constant 0 : i32
    %dma_wait3A_20 = tpu.memref_slice %arg6[%add3A_19, %dma_wait3A] : memref<16384x4096xf32, #tpu.memory_space<hbm>> -> memref<4x4096xf32, #tpu.memory_space<hbm>>
    %dma_wait3A_21 = arith.constant 0 : i32
    %dma_wait3A_22 = tpu.memref_slice %arg6[%add3A_19, %dma_wait3A_21] : memref<16384x4096xf32, #tpu.memory_space<hbm>> -> memref<4x4096xf32, #tpu.memory_space<hbm>>
    tpu.wait_dma2 semaphore(%arg16 : memref<!tpu.dma_semaphore, #tpu.memory_space<semaphore_mem>>) src(%arg12 : memref<4x4096xf32, #tpu.memory_space<vmem>>) dst(%dma_wait3A_22 : memref<4x4096xf32, #tpu.memory_space<hbm>>)
    %add3A_23 = arith.constant 508 : i32
    %add3A_24 = arith.addi %mul3A_2, %add3A_23 : i32
    %dma_wait3A_25 = arith.constant 0 : i32
    %dma_wait3A_26 = tpu.memref_slice %arg6[%add3A_24, %dma_wait3A_25] : memref<16384x4096xf32, #tpu.memory_space<hbm>> -> memref<4x4096xf32, #tpu.memory_space<hbm>>
    %dma_wait3A_27 = arith.constant 0 : i32
    %dma_wait3A_28 = tpu.memref_slice %arg6[%add3A_24, %dma_wait3A_27] : memref<16384x4096xf32, #tpu.memory_space<hbm>> -> memref<4x4096xf32, #tpu.memory_space<hbm>>
    tpu.wait_dma2 semaphore(%arg17 : memref<!tpu.dma_semaphore, #tpu.memory_space<semaphore_mem>>) src(%arg13 : memref<4x4096xf32, #tpu.memory_space<vmem>>) dst(%dma_wait3A_28 : memref<4x4096xf32, #tpu.memory_space<hbm>>)
    return
  }
}

module attributes {stable_mosaic.version = 14 : i64} {
  func.func @_coef_tc(%arg0: memref<16x4096xf32, #tpu.memory_space<vmem>>, %arg1: memref<4x16xf32, #tpu.memory_space<vmem>>, %arg2: memref<4x4096xf32, #tpu.memory_space<vmem>>) attributes {dimension_semantics = [], scalar_prefetch = 0 : i64, scratch_operands = 0 : i64, tpu.core_type = #tpu.core_type<tc>} {
    %get3A = arith.constant 0 : index
    %get3A_0 = arith.constant 0 : index
    %get3A_1 = vector.load %arg0[%get3A, %get3A_0] : memref<16x4096xf32, #tpu.memory_space<vmem>>, vector<16x4096xf32>
    %reduce_max3A = arith.constant dense<0xFF800000> : vector<4096xf32>
    %reduce_max3A_2 = vector.multi_reduction <maximumf>, %get3A_1, %reduce_max3A [0] : vector<16x4096xf32> to vector<4096xf32>
    %broadcast_in_dim3A = vector.shape_cast %reduce_max3A_2 : vector<4096xf32> to vector<1x4096xf32>
    %sub3A = vector.broadcast %broadcast_in_dim3A : vector<1x4096xf32> to vector<16x4096xf32>
    %sub3A_3 = arith.subf %get3A_1, %sub3A : vector<16x4096xf32>
    %exp3A = math.exp %sub3A_3 : vector<16x4096xf32>
    %reduce_sum3A = arith.constant dense<0.000000e+00> : vector<4096xf32>
    %reduce_sum3A_4 = vector.multi_reduction <add>, %exp3A, %reduce_sum3A [0] : vector<16x4096xf32> to vector<4096xf32>
    %broadcast_in_dim3A_5 = vector.shape_cast %reduce_sum3A_4 : vector<4096xf32> to vector<1x4096xf32>
    %div3A = vector.broadcast %broadcast_in_dim3A_5 : vector<1x4096xf32> to vector<16x4096xf32>
    %div3A_6 = arith.divf %exp3A, %div3A : vector<16x4096xf32>
    %get3A_7 = arith.constant 0 : index
    %get3A_8 = arith.constant 0 : index
    %get3A_9 = vector.load %arg1[%get3A_7, %get3A_8] : memref<4x16xf32, #tpu.memory_space<vmem>>, vector<4x16xf32>
    %dot_general3A = arith.constant dense<0.000000e+00> : vector<4x4096xf32>
    %dot_general3A_10 = tpu.matmul %get3A_9, %div3A_6, %dot_general3A {dimension_numbers = #tpu.dot_dimension_numbers<[1], [0], [0], [1], [0, 0, 1, 1], [], []>, transpose_lhs_hint = false} : vector<4x16xf32>, vector<16x4096xf32>, vector<4x4096xf32> -> vector<4x4096xf32>
    %swap3A = arith.constant 0 : index
    %swap3A_11 = arith.constant 0 : index
    %swap3A_12 = vector.load %arg2[%swap3A, %swap3A_11] : memref<4x4096xf32, #tpu.memory_space<vmem>>, vector<4x4096xf32>
    tpu.vector_store %arg2[%swap3A, %swap3A_11], %dot_general3A_10 {strides = array<i32>} : memref<4x4096xf32, #tpu.memory_space<vmem>>, vector<4x4096xf32>,
    return
  }
}

</mosaic_0001>

<sc_bundles>
// kernel: _run.4.cloned.1.call-start
scs
__scs_entry_jumppad:
0x0: {  	(pc) =	sbr.rel $0x88, $3  }
0x1: {  	(tag) =	ssettag $0x0;
	lr =	simm.s32 $0x1  }
0x2: {  	[smem:$0x3F9C] =	sst lr;
	_ =	strace $0xD0000000  }
0x3: {  	_ = 	snop  }
0x4: {  	_ = 	snop  }
0x5: {  	_ = 	snop  }
0x6: {  	_ = 	snop  }
0x7: {  	_ = 	snop  }
__scs_overlays_trampoline_lowered:
0x8: {  	[smem:$0x3FAB] =	sst s0  }
0x9: {  	[smem:$0x3FAC] =	sst s1  }
0xa: {  	[smem:$0x3FAD] =	sst s2  }
0xb: {  	[smem:$0x3FAE] =	sst s3  }
0xc: {  	[smem:$0x3FAF] =	sst s4  }
0xd: {  	[smem:$0x3FB0] =	sst s5  }
0xe: {  	[smem:$0x3FB1] =	sst s6  }
0xf: {  	[smem:$0x3FB2] =	sst s7  }
0x10: {  	[smem:$0x3FB3] =	sst s8  }
0x11: {  	[smem:$0x3FB4] =	sst s9;
	s0 =	simm.s32 @!p0 $0x0  }
0x12: {  	s1 =	sld [smem:$0x3F9A];
	s0 =	simm.s32 @p0 $0x1  }
0x13: {  	[smem:$0x3FB5] =	sst s0;
	s0 =	simm.s32 @!p1 $0x0  }
0x14: {  	s2 =	sld [smem:$0x3F99];
	s0 =	simm.s32 @p1 $0x1  }
0x15: {  	[smem:$0x3FB6] =	sst s0;
	s0 =	simm.s32 @!p2 $0x0  }
0x16: {  	s3 =	sld [smem:$0x3FDB];
	s0 =	simm.s32 @p2 $0x1  }
0x17: {  	s4 =	simm.s32 $0x1BF5;
	[smem:$0x3FB8] =	sst s0  }
0x18: {  	s0 =	sld [smem:$0x3F9B];
	_ =	swait.ge [sflag:s4], $0x0  }
0x19: {  	s7 =	sld [smem:$0x3F9C]  }
0x1a: {  	s8 =	sadd.s32 $0xFFFFE003, lr  }
0x1b: {  	s9 =	sadd.s32 $0xFFFFFEF7, lr;
	s5 =	simm.s32 $0xFFFFFFFF;
	p2 =	slt.u32 s8, $0xFFFFF086  }
0x1c: {  	p1 =	slt.u32 s9, $0xF7A;
	s5 =	simm.s32 @!p2 $0x0  }
0x1d: {  	s5 =	simm.s32 @p1 $0x1;
	p0 =	seq.s32 s7, s2  }
0x1e: {  	s7 =	smul.u32 @!p0 $0xF7A, s2;
	p2 =	seq.s32 @!p0 s5, $0x0  }
0x1f: {  	s9 =	smul.u32 $0xF7A, s1;
	s8 =	simm.s32 @!p0 $0x1BF5;
	p2 =	por !p2, p0  }
0x20: {  	[sflag:s8] =	ssyncset.s32 @!p0 $0xFFFFF086;
	s6 =	sadd.s32 @!p0 s3, s7;
	s7 =	simm.s32 @!p0 $0x108  }
0x21: {  	s3 =	sadd.s32 s3, s9;
	s6 =	sadd.s32 @!p0 $0x88, s6;
	s7 =	simm.s32 @p2 $0x1082  }
0x22: {  	[simem:s7], [sflag:s8] =	dma.local @!p0 [hbm:s6], $0xF7A  }
0x23: {  	s9 =	sor.u32 $0xD0000000, s2;
	s6 =	simm.s32 $0x108;
	_ =	swait.ge @!p0 [sflag:s8], $0x0  }
0x24: {  	s3 =	sadd.s32 $0x88, s3;
	s6 =	simm.s32 @!p1 $0x1082;
	[sflag:s4] =	ssyncset.s32 $0xFFFFF086  }
0x25: {  	[simem:s6], [sflag:s4] =	dma.local [hbm:s3], $0xF7A  }
0x26: {  	[smem:$0x3F9C] =	sst s1;
	(tag) =	ssettag s2;
	_ =	strace s9  }
0x27: {  	s1 =	sld [smem:$0x3FAC]  }
0x28: {  	s2 =	sld [smem:$0x3FAD]  }
0x29: {  	s4 =	sld [smem:$0x3FAF]  }
0x2a: {  	p0 =	seq.s32 s5, $0x0;
	s5 =	sld [smem:$0x3FB0]  }
0x2b: {  	s6 =	sld [smem:$0x3FB1]  }
0x2c: {  	s7 =	sld [smem:$0x3FB2]  }
0x2d: {  	s3 =	simm.s32 $0x108;
	s8 =	sld [smem:$0x3FB3]  }
0x2e: {  	s3 =	simm.s32 @!p0 $0x1082;
	s9 =	sld [smem:$0x3FB4]  }
0x2f: {  	lr =	sadd.s32 s0, s3;
	s0 =	sld [smem:$0x3FAB]  }
0x30: {  	s3 =	sld [smem:$0x3FAE]  }
0x31: {  	[smem:$0x3FB7] =	sst s10  }
0x32: {  	s10 =	sld [smem:$0x3FB5];
	_ =	sdelay $0x3  }
0x33: {  	p0 =	seq.s32 s10, $0x1;
	s10 =	sld [smem:$0x3FB7];
	_ =	sdelay $0x3  }
0x34: {  	[smem:$0x3FB7] =	sst s10  }
0x35: {  	s10 =	sld [smem:$0x3FB6];
	_ =	sdelay $0x3  }
0x36: {  	p1 =	seq.s32 s10, $0x1;
	s10 =	sld [smem:$0x3FB7];
	_ =	sdelay $0x3  }
0x37: {  	[smem:$0x3FB7] =	sst s10  }
0x38: {  	s10 =	sld [smem:$0x3FB8]  }
0x39: {  	_ = 	snop;
	(pc) =	sbr.ind lr, $3  }
0x3a: {  	_ = 	snop  }
0x3b: {  	_ = 	snop  }
0x3c: {  	p2 =	seq.s32 s10, $0x1;
	s10 =	sld [smem:$0x3FB7]  }
0x3d: {  	_ =	shalt  }
0x3e: {  	_ =	shalt  }
0x3f: {  	_ =	shalt  }
0x40: {  	_ =	shalt  }
0x41: {  	_ =	shalt  }
0x42: {  	_ =	shalt  }
0x43: {  	_ =	shalt  }
0x44: {  	_ =	shalt  }
0x45: {  	_ =	shalt  }
0x46: {  	_ =	shalt  }
0x47: {  	_ =	shalt  }
0x48: {  	_ =	shalt  }
0x49: {  	_ =	shalt  }
0x4a: {  	_ =	shalt  }
0x4b: {  	_ =	shalt  }
0x4c: {  	_ =	shalt  }
0x4d: {  	_ =	shalt  }
0x4e: {  	_ =	shalt  }
0x4f: {  	_ =	shalt  }
0x50: {  	_ =	shalt  }
0x51: {  	_ =	shalt  }
0x52: {  	_ =	shalt  }
0x53: {  	_ =	shalt  }
0x54: {  	_ =	shalt  }
0x55: {  	_ =	shalt  }
0x56: {  	_ =	shalt  }
0x57: {  	_ =	shalt  }
0x58: {  	_ =	shalt  }
0x59: {  	_ =	shalt  }
0x5a: {  	_ =	shalt  }
0x5b: {  	_ =	shalt  }
0x5c: {  	_ =	shalt  }
0x5d: {  	_ =	shalt  }
0x5e: {  	_ =	shalt  }
0x5f: {  	_ =	shalt  }
0x60: {  	_ =	shalt  }
0x61: {  	_ =	shalt  }
0x62: {  	_ =	shalt  }
0x63: {  	_ =	shalt  }
0x64: {  	_ =	shalt  }
0x65: {  	_ =	shalt  }
0x66: {  	_ =	shalt  }
0x67: {  	_ =	shalt  }
0x68: {  	_ =	shalt  }
0x69: {  	_ =	shalt  }
0x6a: {  	_ =	shalt  }
0x6b: {  	_ =	shalt  }
0x6c: {  	_ =	shalt  }
0x6d: {  	_ =	shalt  }
0x6e: {  	_ =	shalt  }
0x6f: {  	_ =	shalt  }
0x70: {  	_ =	shalt  }
0x71: {  	_ =	shalt  }
0x72: {  	_ =	shalt  }
0x73: {  	_ =	shalt  }
0x74: {  	_ =	shalt  }
0x75: {  	_ =	shalt  }
0x76: {  	_ =	shalt  }
0x77: {  	_ =	shalt  }
0x78: {  	_ =	shalt  }
0x79: {  	_ =	shalt  }
0x7a: {  	_ =	shalt  }
0x7b: {  	_ =	shalt  }
0x7c: {  	_ =	shalt  }
0x7d: {  	_ =	shalt  }
0x7e: {  	_ =	shalt  }
0x7f: {  	_ =	shalt  }
0x80: {  	_ =	shalt  }
0x81: {  	_ =	shalt  }
0x82: {  	_ =	shalt  }
0x83: {  	_ =	shalt  }
0x84: {  	_ =	shalt  }
0x85: {  	_ =	shalt  }
0x86: {  	_ =	shalt  }
0x87: {  	_ =	shalt  }
.Lfunc_end0:
.L_simem_size_0:
called_computation_lowered:
.L_overlay_start_0:
0x88: {  	s2 =	sld [smem:$0x3FD9]  }
0x89: {  	s3 =	sld [smem:$0x3FFE];
	_ =	sdelay $0x1  }
0x8a: {  	s1 =	srdreg.scid  }
0x8b: {  	s0 =	sand.u32 $0x1, s1  }
0x8c: {  	s17 =	sshll.u32 s0, $0xA;
	s2 =	sadd.s32 s3, s2  }
0x8d: {  	s2 =	sadd.s32 s2, s17  }
0x8e: {  	[smem:$0x3FC3] =	sst s2  }
0x8f: {  	_ = 	snop  }
0x90: {  	s2 =	sld [smem:$0x3FC9]  }
0x91: {  	s18 =	sld [smem:$0x3FC6]  }
0x92: {  	s4 =	sld [smem:$0x3FC5]  }
0x93: {  	s5 =	sld [smem:$0x3FD0];
	(tm) =	ssettm $0x1  }
0x94: {  	s6 =	sld [smem:$0x3FFB];
	_ =	sdelay $0x3  }
0x95: {  	_ =	strace s6  }
0x96: {  	s6 =	sld [smem:$0x3FFC];
	_ =	sdelay $0x3  }
0x97: {  	_ =	strace s6  }
0x98: {  	s6 =	sld [smem:$0x3FFD];
	_ =	sdelay $0x3  }
0x99: {  	_ =	strace s6  }
0x9a: {  	_ =	strace $0x8FFFFFFF  }
0x9b: {  	s19 =	sld [smem:$0x3FDB];
	_ =	sdelay $0x1  }
0x9c: {  	s7 =	simm.s32 $_scs_section_size  }
0x9d: {  	s8 =	simm.s32 $_size__tile_overlayer_lowered;
	s9 =	simm.s32 $_tile_overlayer_lowered  }
0x9e: {  	s22 =	simm.s32 $0x1BFF;
	s21 =	sshll.u32 s9, $0x1;
	s6 =	sadd.s32 s7, s19  }
0x9f: {  	s10 =	simm.s32 $0x0;
	s20 =	sshll.u32 s8, $0x1;
	s8 =	sadd.s32 s21, s6  }
0xa0: {  	[timem:s10], [sflag:s22] =	dma.local [hbm:s8], s20  }
0xa1: {  	_ =	swait.ge [sflag:s22], s20  }
0xa2: {  	s7 =	ssub.s32 $0x0, s20;
	[sflag:s22] =	ssyncset.done $0x0  }
0xa3: {  	[sflag:s22] =	ssyncadd.s32 s7;
	_ =	sdelay $0x1  }
0xa4: {  	s23 =	simm.s32 $0x1B8B  }
0xa5: {  	_ =	swait.ge [sflag:s23], $0x1  }
0xa6: {  	[sflag:s23] =	ssyncset.done $0x0  }
0xa7: {  	s25 =	simm.s32 $0x1B8E;
	s24 =	sld [smem:$0x3FFE];
	[sflag:s23] =	ssyncadd.s32 $0xFFFFFFFF  }
0xa8: {  	s26 =	simm.s32 $execute0_lowered;
	[smem:$0x3FD2] =	sst s25  }
0xa9: {  	s8 =	sshll.u32 s26, $0x1;
	_ =	strace $0x80000046;
	[dreg:$0x1] =	wrdreg $0xFFFFFFFF  }
0xaa: {  	s28 =	simm.s32 $_size_execute0_lowered;
	s6 =	sadd.s32 s6, s8;
	[dreg:$0x0] =	wrdreg $0x0  }
0xab: {  	s8 =	sshll.u32 s28, $0x1;
	[dreg:$0x2] =	wrdreg s6  }
0xac: {  	[dreg:$0x3] =	wrdreg s8  }
0xad: {  	[dreg:$0x4] =	wrdreg $0xC0  }
0xae: {  	_ =	task [dreg:s10], $0x5FFFF  }
0xaf: {  	[dreg:$0x1] =	wrdreg $0xFFFFFFFF  }
0xb0: {  	[dreg:$0x0] =	wrdreg $0x60  }
0xb1: {  	[dreg:$0x2] =	wrdreg s2  }
0xb2: {  	[dreg:$0x3] =	wrdreg s24  }
0xb3: {  	[dreg:$0x4] =	wrdreg s18  }
0xb4: {  	[dreg:$0x5] =	wrdreg s4  }
0xb5: {  	[dreg:$0x6] =	wrdreg s5  }
0xb6: {  	[dreg:$0x7] =	wrdreg $0x9  }
0xb7: {  	_ =	task.clear_ibuf [dreg:s10], $0x8FFFF;
	_ =	strace $0x90000046  }
0xb8: {  	s29 =	simm.s32 $0x9;
	_ =	strace $0x80000048  }
0xb9: {  	_ =	swait.ge [sflag:s29], $0x1  }
0xba: {  	[sflag:s29] =	ssyncadd.s32 $0xFFFFFFFF  }
0xbb: {  	_ =	strace $0x90000048  }
0xbc: {  	_ =	sfence  }
0xbd: {  	s30 =	sld [smem:$0x0];
	_ =	sdelay $0x2  }
0xbe: {  	s31 =	sshll.u32 s1, $0xD;
	s1 =	sshrl.u32 s1, $0x2  }
0xbf: {  	s3 =	sand.u32 $0x4000, s31;
	s1 =	sadd.s32 s1, s30  }
0xc0: {  	s0 =	sor.u32 s3, s0;
	s1 =	sshll.u32 s1, $0x11  }
0xc1: {  	s0 =	sor.u32 s1, s0  }
0xc2: {  	s0 =	sadd.s32 $0x8F2B, s0  }
0xc3: {  	[sflag:s0] =	ssyncadd.remote.s32 $0x1  }
0xc4: {  	_ =	sfence.sel $0xFFFF  }
0xc5: {  	[dreg:$0x0] =	wrdreg $0xFFFFFFFF;
	(pc) =	sbr.abs _section_cstart, $3  }
0xc6: {  	[dreg:$0x1] =	wrdreg $0xFFFFFFFF  }
0xc7: {  	_ =	task.clear_ibuf [dreg:s10], $0x2FFFF;
	_ =	strace $0x9FFFFFFF  }
0xc8: {  	(tm) =	ssettm $0x7FFFFFFF  }
0xc9: {  	_ =	shalt  }
tec
execute0_lowered:
.L_overlay_start_1:
0x0: {  	(tag) =	ssettag $0x1  }
0x1: {  	s0 =	rddreg [dreg:$0x0]  }
0x2: {  	s1 =	rddreg [dreg:$0x1]  }
0x3: {  	s4 =	rddreg [dreg:$0x4]  }
0x4: {  	s2 =	srdreg.scid;
	s3 =	stileid.u32  }
0x5: {  	s5 =	simm.s32 $0x0;
	s14 =	simm.s32 $0x5;
	s17 =	simm.s32 $0x200  }
0x6: {  	s18 =	simm.s32 $0x400;
	s19 =	simm.s32 $0x6000;
	s20 =	simm.s32 $0xA000  }
0x7: {  	s21 =	simm.s32 $0x1;
	s22 =	simm.s32 $0xE000;
	s23 =	simm.s32 $0x2  }
0x8: {  	s24 =	simm.s32 $0x4;
	s25 =	simm.s32 $0x12000;
	s28 =	simm.s32 $0x0  }
0x9: {  	s2 =	sand.u32 $0x1, s2;
	s3 =	sshll.u32 s3, $0x13;
	[smem:$0x7FF] =	sst s5  }
0xa: {  	s1 =	sadd.s32 $0xA00, s1;
	s10 =	sadd.s32 $0x1000, s0;
	s6 =	sshll.u32 s2, $0x12  }
.Ltmp0:
0xb: {  	s2 =	ssub.s32 $0x2, s2;
	s6 =	sor.u32 s6, s3;
	(pc) =	sbr.rel .LBB2_1-.Ltmp0, $4  }
0xc: {  	_ =	strace $0x80000047;
	s26 =	sshrl.u32 s2, $0x1;
	s7 =	sadd.s32 s0, s6  }
0xd: {  	[dreg:$0x6] =	wrdreg s1;
	s29 =	ssub.s32 s2, s26;
	s30 =	sadd.s32 $0x40, s7  }
0xe: {  	s11 =	sadd.s32 $0x40, s4;
	s31 =	smax.u32 s29, $0x1;
	[dreg:$0x7] =	wrdreg s30  }
0xf: {  	s12 =	sadd.s32 $0x1040, s0;
	s26 =	simm.s32 $0x3;
	[dreg:$0x8] =	wrdreg s31  }
.LBB2_12:
0x10: {  	_ =	swait.ge [sflag:s26], $0x4000  }
0x11: {  	[sflag:s26] =	ssyncset.done $0x0  }
0x12: {  	[sflag:s26] =	ssyncadd.s32 $0xFFFFC000  }
0x13: {  	_ =	swait.ge [sflag:s24], $0x4000  }
0x14: {  	s28 =	sadd.s32 $0x1, s28;
	s0 =	rddreg [dreg:$0x8]  }
0x15: {  	p0 =	sne.s32 s28, s0  }
.Ltmp1:
0x16: {  	_ = 	snop;
	(pc) =	sbr.rel @!p0 .LBB2_13-.Ltmp1, $3  }
0x17: {  	_ =	sdelay $0x1  }
0x18: {  	[sflag:s24] =	ssyncset.done $0x0  }
0x19: {  	[sflag:s24] =	ssyncadd.s32 $0xFFFFC000  }
.LBB2_1:
0x1a: {  	s0 =	rddreg [dreg:$0x2]  }
0x1b: {  	[tilespmem:s5], [sflag:$0x5] =	stream.linear.gather [hbm4b:s0+s5], $0x1000, $0x38;
	[tilespmem:$0x16000] =	vst v63  }
0x1c: {  	_ =	swait.ge [sflag:s14], $0x1000  }
0x1d: {  	[sflag:s14] =	ssyncset.done $0x0  }
0x1e: {  	[sflag:s14] =	ssyncadd.s32 $0xFFFFF000  }
0x1f: {  	s1 =	simm.s32 $0x1000;
	s15 =	rddreg [dreg:$0x3]  }
0x20: {  	[tilespmem:s1], [sflag:$0x5] =	stream.linear.gather [hbm4b:s15+s5], $0x1000, $0x38;
	[tilespmem:$0x16000] =	vst v63  }
0x21: {  	_ =	swait.ge [sflag:s14], $0x1000  }
0x22: {  	[sflag:s14] =	ssyncset.done $0x0  }
0x23: {  	s30 =	simm.s32 $0x2000;
	s16 =	rddreg [dreg:$0x6];
	[sflag:s14] =	ssyncadd.s32 $0xFFFFF000  }
0x24: {  	[tilespmem:s30], [sflag:$0x5] =	stream.linear.gather [hbm4b:s16+s5], $0x4000, $0x38;
	[tilespmem:$0x16000] =	vst v63  }
0x25: {  	_ =	swait.ge [sflag:s14], $0x4000  }
0x26: {  	[sflag:s14] =	ssyncset.done $0x0  }
0x27: {  	[sflag:s14] =	ssyncadd.s32 $0xFFFFC000  }
0x28: {  	[tilespmem:s19], [sflag:$0x1] =	stream.strided.gather [hbm4b:s7+s17], $0x4000, s18, s17, $0x38;
	[tilespmem:$0x16000] =	vst v63  }
0x29: {  	s29 =	simm.s32 $0x0;
	s31 =	rddreg [dreg:$0x7]  }
0x2a: {  	[tilespmem:s20], [sflag:$0x2] =	stream.strided.gather [hbm4b:s31+s17], $0x4000, s18, s17, $0x38;
	[tilespmem:$0x16000] =	vst v63  }
.LBB2_2:
0x2b: {  	_ =	swait.ge [sflag:s21], $0x4000  }
0x2c: {  	p0 =	seq.s32 s29, $0x0;
	[sflag:s21] =	ssyncset.done $0x0  }
0x2d: {  	s0 =	simm.s32 @!p0 $0x3;
	[sflag:s21] =	ssyncadd.s32 $0xFFFFC000  }
0x2e: {  	_ =	swait.ge @!p0 [sflag:s0], $0x4000  }
0x2f: {  	[sflag:s0] =	ssyncset.done @!p0 $0x0  }
0x30: {  	[sflag:s0] =	ssyncadd.s32 @!p0 $0xFFFFC000  }
0x31: {  	v0 =	vld [tilespmem:$0x1000];
	_ =	sdelay $0x2  }
0x32: {  	v1 =	vld [tilespmem:$0x0];
	_ =	sdelay $0x1  }
0x33: {  	v2 =	vshll.u32 v0, $0x2  }
0x34: {  	v6 =	vld [tilespmem:$0x10];
	v0 =	vand.u32 $0x7F, v0;
	v2 =	vand.u32 $0xFFFFFE00, v2  }
0x35: {  	v7 =	vld [tilespmem:$0x1010];
	v4 =	vor.u32 v0, v2  }
0x36: {  	v3 =	vld [tilespmem:$0x2000];
	v0 =	vshll.u32 v1, $0x2;
	v2 =	vor.u32 $0x180, v4  }
0x37: {  	v9 =	vld [tilespmem:$0x2080];
	v1 =	vand.u32 $0x7F, v1;
	v5 =	vand.u32 $0xFFFFFE00, v0;
	v8 =	vor.u32 $0x80, v4  }
0x38: {  	v11 =	vld [tilespmem:$0x2180];
	v5 =	vor.u32 v1, v5  }
0x39: {  	v0 =	vld [tilespmem:$0x2100];
	v12 =	vor.u32 $0x100, v4  }
0x3a: {  	v10 =	vor.u32 $0x80, v5;
	v4 =	vld.idx.msk [tilespmem:v4+s19+$0x0], $0xffff  }
0x3b: {  	v13 =	vor.u32 $0x100, v5;
	v2 =	vld.idx.msk [tilespmem:v2+s19+$0x0], $0xffff  }
0x3c: {  	v1 =	vld.idx.msk [tilespmem:v8+s19+$0x0], $0xffff;
	v8 =	vor.u32 $0x180, v5  }
0x3d: {  	v15 =	vld.idx.msk [tilespmem:v5+s19+$0x0], $0xffff  }
0x3e: {  	s30 =	simm.s32 $0x1;
	v5 =	vld.idx.msk [tilespmem:v12+s19+$0x0], $0xffff  }
0x3f: {  	s16 =	simm.s32 $0x0;
	s1 =	smin.u32 s30, $0xFF;
	v12 =	vand.u32 $0x7F, v6;
	v6 =	vshll.u32 v6, $0x2;
	v16 =	vld.idx.msk [tilespmem:v10+s19+$0x0], $0xffff  }
0x40: {  	s2 =	sshll.u32 s1, $0x4;
	s1 =	sshll.u32 s1, $0x6;
	s0 =	smin.u32 s16, $0xFD;
	v22 =	vld.idx.msk [tilespmem:v13+s19+$0x0], $0xffff;
	v13 =	vshll.u32 v7, $0x2;
	v14 =	vmul.f32 v4, v11;
	v10 =	vmul.f32 v2, v11  }
0x41: {  	s2 =	sand.u32 $0x70, s2;
	s1 =	sand.u32 $0x3E00, s1;
	s0 =	sshll.u32 s0, $0x4;
	v6 =	vand.u32 $0xFFFFFE00, v6;
	v7 =	vand.u32 $0x7F, v7;
	v20 =	vld.idx.msk [tilespmem:v8+s19+$0x0], $0xffff;
	v8 =	vmul.f32 v1, v11  }
0x42: {  	s1 =	sor.u32 s2, s1;
	v23 =	vor.u32 v12, v6;
	v6 =	vld [tilespmem:s0+$0x1020];
	v12 =	vadd.f32 v14, v9;
	v21 =	vadd.f32 v10, v9  }
0x43: {  	v14 =	vld [tilespmem:s1+$0x2100];
	v10 =	vand.u32 $0xFFFFFE00, v13;
	v8 =	vadd.f32 v8, v9;
	v13 =	vor.u32 $0x180, v23  }
0x44: {  	v17 =	vor.u32 v7, v10;
	v10 =	vld [tilespmem:s0+$0x20];
	v7 =	vmul.f32 v5, v11;
	v11 =	vmul.f32 v12, v15  }
0x45: {  	v18 =	vor.u32 $0x180, v17;
	v15 =	vmul.f32 v8, v16;
	v19 =	vor.u32 $0x80, v17;
	v8 =	vld [tilespmem:s1+$0x2180]  }
0x46: {  	v12 =	vor.u32 $0x100, v17;
	v9 =	vadd.f32 v7, v9;
	v7 =	vld [tilespmem:s1+$0x2080];
	v24 =	vmul.f32 v21, v20  }
0x47: {  	s0 =	simm.s32 $0x0;
	v20 =	vor.u32 $0x100, v23;
	v16 =	vadd.f32 v11, v3;
	v11 =	vld.idx.msk [tilespmem:v23+s19+$0x0], $0xffff;
	v21 =	vor.u32 $0x80, v23  }
0x48: {  	s2 =	simm.s32 $0x10;
	s31 =	sand.u32 $0x3E00, s0;
	v15 =	vadd.f32 v15, v3;
	v23 =	vmul.f32 v9, v22;
	v9 =	vld [tilespmem:s1+$0x2000];
	v22 =	vadd.f32 v24, v3;
	s1 =	simm.s32 $0x0  }
.LBB2_3:
0x49: {  	p1 =	sne.s32 s2, $0xFF0;
	v17 =	vld.idx.msk [tilespmem:v17+s19+$0x0], $0xffff;
	s0 =	sadd.s32 $0x40, s0;
	s30 =	sadd.s32 $0x1, s30  }
0x4a: {  	v25 =	vadd.f32 v23, v3;
	v5 =	vmul.f32 v5, v0;
	v23 =	vmul.f32 v2, v0;
	s15 =	smov.u32 s2;
	s2 =	sadd.s32 $0x10, s2;
	s3 =	sand.u32 $0x3E00, s0;
	v2 =	vld.idx.msk [tilespmem:v18+s19+$0x0], $0xffff  }
0x4b: {  	v26 =	vmul.f32 v4, v0;
	v24 =	vld.idx.msk [tilespmem:v13+s19+$0x0], $0xffff  }
0x4c: {  	v13 =	vmul.f32 v1, v0;
	v18 =	vadd.f32 v25, v5;
	v1 =	vld.idx.msk [tilespmem:v19+s19+$0x0], $0xffff;
	v19 =	vadd.f32 v22, v23  }
0x4d: {  	v0 =	vmov v14;
	v22 =	vld.idx.msk [tilespmem:v20+s19+$0x0], $0xffff;
	v3 =	vmov v9  }
0x4e: {  	s16 =	sand.u32 $0x70, s1;
	s1 =	smov.u32 s15;
	v16 =	vadd.f32 v16, v26;
	v13 =	vadd.f32 v15, v13;
	v14 =	vld.idx.msk [tilespmem:v21+s19+$0x0], $0xffff;
	v4 =	vmov v17  }
0x4f: {  	s15 =	sor.u32 s16, s31;
	s31 =	smov.u32 s3;
	v15 =	vmul.f32 v2, v8;
	v5 =	vld.idx.msk [tilespmem:v12+s19+$0x0], $0xffff  }
0x50: {  	v20 =	vshll.u32 v6, $0x2;
	v12 =	vand.u32 $0x7F, v10;
	v10 =	vshll.u32 v10, $0x2;
	[tilespmem:s15+$0xE180] =	vst v19  }
0x51: {  	s3 =	sadd.s32 $0xFFFFFFFF, s30;
	v17 =	vmul.f32 v17, v8;
	v19 =	vmul.f32 v1, v8;
	v25 =	vadd.f32 v15, v7;
	[tilespmem:s15+$0xE100] =	vst v18  }
0x52: {  	s16 =	smin.u32 s30, $0xFF;
	s3 =	smin.u32 s3, $0xFD;
	v10 =	vand.u32 $0xFFFFFE00, v10;
	v15 =	vand.u32 $0x7F, v6;
	v18 =	vand.u32 $0xFFFFFE00, v20;
	[tilespmem:s15+$0xE000] =	vst v16  }
0x53: {  	s8 =	sshll.u32 s16, $0x4;
	s16 =	sshll.u32 s16, $0x6;
	s3 =	sshll.u32 s3, $0x4;
	v26 =	vor.u32 v12, v10;
	v12 =	vadd.f32 v17, v7;
	v16 =	vadd.f32 v19, v7;
	[tilespmem:s15+$0xE080] =	vst v13  }
0x54: {  	s8 =	sand.u32 $0x70, s8;
	v17 =	vor.u32 v15, v18;
	s15 =	sand.u32 $0x3E00, s16;
	v13 =	vor.u32 $0x180, v26;
	v6 =	vld [tilespmem:s3+$0x1020];
	v8 =	vmul.f32 v5, v8  }
0x55: {  	v18 =	vor.u32 $0x180, v17;
	v11 =	vmul.f32 v12, v11;
	v10 =	vld [tilespmem:s3+$0x20];
	s3 =	sor.u32 s8, s15;
	v15 =	vmul.f32 v16, v14  }
.Ltmp2:
0x56: {  	v19 =	vor.u32 $0x80, v17;
	v12 =	vor.u32 $0x100, v17;
	v14 =	vld [tilespmem:s3+$0x2100];
	v23 =	vadd.f32 v8, v7;
	(pc) =	sbr.rel @p1 .LBB2_3-.Ltmp2, $4  }
0x57: {  	v20 =	vor.u32 $0x100, v26;
	v16 =	vadd.f32 v11, v9;
	v8 =	vld [tilespmem:s3+$0x2180];
	v15 =	vadd.f32 v15, v9  }
0x58: {  	v21 =	vor.u32 $0x80, v26;
	v7 =	vld [tilespmem:s3+$0x2080];
	v23 =	vmul.f32 v23, v22;
	v22 =	vmul.f32 v25, v24  }
0x59: {  	v11 =	vld.idx.msk [tilespmem:v26+s19+$0x0], $0xffff  }
0x5a: {  	v9 =	vld [tilespmem:s3+$0x2000];
	v22 =	vadd.f32 v22, v3  }
0x5b: {  	v2 =	vmul.f32 v2, v0  }
0x5c: {  	v3 =	vadd.f32 v23, v3;
	v5 =	vmul.f32 v5, v0  }
0x5d: {  	v4 =	vmul.f32 v4, v0;
	s0 =	sand.u32 $0x70, s1;
	v2 =	vadd.f32 v22, v2  }
0x5e: {  	v61 =	vmul.f32 v1, v0;
	p1 =	sne.s32 s29, $0x3F;
	s0 =	sor.u32 s0, s31;
	v62 =	vadd.f32 v3, v5  }
.Ltmp3:
0x5f: {  	v63 =	vadd.f32 v16, v4;
	[tilespmem:s0+$0xE180] =	vst v2;
	(pc) =	sbr.rel @p1 .LBB2_6-.Ltmp3, $4  }
0x60: {  	s16 =	sshll.u32 s29, $0xC;
	v0 =	vadd.f32 v15, v61;
	[tilespmem:s0+$0xE100] =	vst v62  }
0x61: {  	s30 =	sor.u32 s6, s16;
	[tilespmem:s0+$0xE000] =	vst v63  }
0x62: {  	s31 =	sadd.s32 s4, s30;
	[tilespmem:s0+$0xE080] =	vst v0  }
0x63: {  	[hbm4b:s31+s17] =	stream.strided.scatter [tilespmem:s22], [sflag:$0x3], $0x4000, s18, s17, $0x38;
	[tilespmem:$0x16000] =	vst v63  }
.Ltmp4:
0x64: {  	(pc) =	sbr.rel .LBB2_7-.Ltmp4, $4  }
0x65: {  	_ = 	snop  }
0x66: {  	_ =	swait.ge [sflag:s23], $0x4000  }
0x67: {  	[sflag:s23] =	ssyncset.done $0x0  }
0x68: {  	[sflag:s23] =	ssyncadd.s32 $0xFFFFC000  }
.LBB2_6:
.Ltmp5:
0x69: {  	s0 =	sadd.s32 s30, s10;
	(pc) =	sbr.rel @p0 .LBB2_8-.Ltmp5, $4  }
0x6a: {  	[tilespmem:s19], [sflag:$0x1] =	stream.strided.gather [hbm4b:s0+s17], $0x4000, s18, s17, $0x38;
	[tilespmem:$0x16000] =	vst v63  }
0x6b: {  	_ =	swait.ge [sflag:s23], $0x4000  }
0x6c: {  	[sflag:s23] =	ssyncset.done $0x0  }
0x6d: {  	[sflag:s23] =	ssyncadd.s32 $0xFFFFC000  }
.LBB2_7:
0x6e: {  	_ =	swait.ge [sflag:s24], $0x4000  }
0x6f: {  	[sflag:s24] =	ssyncset.done $0x0  }
0x70: {  	[sflag:s24] =	ssyncadd.s32 $0xFFFFC000  }
.LBB2_8:
0x71: {  	v0 =	vld [tilespmem:$0x0]  }
0x72: {  	v1 =	vld [tilespmem:$0x1000];
	_ =	sdelay $0x3  }
0x73: {  	v2 =	vshll.u32 v0, $0x2  }
0x74: {  	v4 =	vld [tilespmem:$0x10];
	v0 =	vand.u32 $0x7F, v0;
	v3 =	vshll.u32 v1, $0x2;
	v2 =	vand.u32 $0xFFFFFE00, v2  }
0x75: {  	v6 =	vld [tilespmem:$0x1010];
	v2 =	vor.u32 v0, v2;
	v0 =	vand.u32 $0x7F, v1;
	v1 =	vand.u32 $0xFFFFFE00, v3  }
0x76: {  	v20 =	vld [tilespmem:$0x2000];
	v1 =	vor.u32 v0, v1  }
0x77: {  	v8 =	vld [tilespmem:$0x2080];
	v5 =	vor.u32 $0x80, v2  }
0x78: {  	v9 =	vld [tilespmem:$0x2180];
	v7 =	vor.u32 $0x100, v1  }
0x79: {  	v0 =	vld [tilespmem:$0x2100];
	v10 =	vor.u32 $0x80, v1  }
0x7a: {  	v12 =	vor.u32 $0x180, v1;
	v11 =	vld.idx.msk [tilespmem:v2+s20+$0x0], $0xffff  }
0x7b: {  	v13 =	vor.u32 $0x100, v2;
	v3 =	vld.idx.msk [tilespmem:v1+s20+$0x0], $0xffff  }
0x7c: {  	v15 =	vor.u32 $0x180, v2;
	v14 =	vld.idx.msk [tilespmem:v5+s20+$0x0], $0xffff  }
0x7d: {  	s0 =	simm.s32 $0x1;
	v2 =	vld.idx.msk [tilespmem:v7+s20+$0x0], $0xffff  }
0x7e: {  	s0 =	smin.u32 s0, $0xFF;
	v1 =	vld.idx.msk [tilespmem:v10+s20+$0x0], $0xffff  }
0x7f: {  	s1 =	sshll.u32 s0, $0x6;
	s0 =	sshll.u32 s0, $0x4;
	v5 =	vld.idx.msk [tilespmem:v12+s20+$0x0], $0xffff;
	v7 =	vshll.u32 v4, $0x2  }
0x80: {  	s1 =	sand.u32 $0x3E00, s1;
	s0 =	sand.u32 $0x70, s0;
	v10 =	vld.idx.msk [tilespmem:v13+s20+$0x0], $0xffff;
	v12 =	vand.u32 $0x7F, v4;
	v18 =	vand.u32 $0xFFFFFE00, v7  }
0x81: {  	s0 =	sor.u32 s0, s1;
	v13 =	vld.idx.msk [tilespmem:v15+s20+$0x0], $0xffff;
	v15 =	vand.u32 $0x7F, v6;
	v6 =	vshll.u32 v6, $0x2;
	v23 =	vor.u32 v12, v18  }
0x82: {  	v4 =	vld [tilespmem:s0+$0x2180];
	v6 =	vand.u32 $0xFFFFFE00, v6  }
0x83: {  	v7 =	vld [tilespmem:s0+$0x2100];
	v15 =	vor.u32 v15, v6;
	v17 =	vmul.f32 v3, v9;
	v16 =	vmul.f32 v2, v9  }
0x84: {  	s16 =	simm.s32 $0x0;
	v12 =	vld [tilespmem:s0+$0x2000];
	v24 =	vor.u32 $0x180, v23;
	v19 =	vmul.f32 v1, v9;
	v9 =	vmul.f32 v5, v9  }
0x85: {  	s1 =	smin.u32 s16, $0xFD;
	v6 =	vld [tilespmem:s0+$0x2080];
	v21 =	vor.u32 $0x180, v15;
	v18 =	vadd.f32 v17, v8;
	v16 =	vadd.f32 v16, v8  }
0x86: {  	s1 =	sshll.u32 s1, $0x4;
	v22 =	vor.u32 $0x80, v23;
	v19 =	vadd.f32 v19, v8;
	v9 =	vadd.f32 v9, v8;
	v8 =	vld.idx.msk [tilespmem:v23+s20+$0x0], $0xffff  }
0x87: {  	v17 =	vor.u32 $0x100, v15;
	v25 =	vmul.f32 v18, v11;
	v11 =	vld [tilespmem:s1+$0x1020];
	v16 =	vmul.f32 v16, v10  }
0x88: {  	v18 =	vor.u32 $0x80, v15;
	v15 =	vld.idx.msk [tilespmem:v15+s20+$0x0], $0xffff;
	v19 =	vmul.f32 v19, v14;
	v26 =	vmul.f32 v9, v13  }
0x89: {  	s31 =	simm.s32 $0x0;
	s2 =	simm.s32 $0x10;
	v10 =	vld [tilespmem:s1+$0x20];
	v14 =	vadd.f32 v25, v20;
	v13 =	vadd.f32 v16, v20  }
0x8a: {  	s3 =	simm.s32 $0x0;
	s0 =	sand.u32 $0x3E00, s31;
	v9 =	vld.idx.msk [tilespmem:v24+s20+$0x0], $0xffff;
	s1 =	simm.s32 $0x2;
	v16 =	vadd.f32 v19, v20;
	v19 =	vor.u32 $0x100, v23;
	v20 =	vadd.f32 v26, v20  }
.LBB2_9:
0x8b: {  	s8 =	smin.u32 s1, $0xFF  }
0x8c: {  	p0 =	sne.s32 s2, $0xFF0;
	v21 =	vld.idx.msk [tilespmem:v21+s20+$0x0], $0xffff;
	s31 =	sadd.s32 $0x40, s31;
	v23 =	vmov v12;
	s15 =	smov.u32 s2  }
0x8d: {  	s2 =	sadd.s32 $0x10, s2;
	v5 =	vmul.f32 v5, v0;
	s16 =	sshll.u32 s8, $0x6;
	s9 =	sand.u32 $0x3E00, s31;
	v22 =	vld.idx.msk [tilespmem:v22+s20+$0x0], $0xffff  }
0x8e: {  	s13 =	sand.u32 $0x70, s3;
	v12 =	vmul.f32 v2, v0;
	s3 =	smov.u32 s15;
	s16 =	sand.u32 $0x3E00, s16;
	v2 =	vld.idx.msk [tilespmem:v17+s20+$0x0], $0xffff  }
0x8f: {  	v24 =	vmul.f32 v1, v0;
	s13 =	sor.u32 s13, s0;
	v17 =	vmul.f32 v3, v0;
	v20 =	vadd.f32 v20, v5;
	s0 =	smov.u32 s9;
	v1 =	vld.idx.msk [tilespmem:v18+s20+$0x0], $0xffff  }
0x90: {  	s9 =	sadd.s32 $0x12000, s13;
	v12 =	vadd.f32 v13, v12;
	v0 =	vmov v7;
	v3 =	vmov v15;
	v18 =	vld.idx.msk [tilespmem:v19+s20+$0x0], $0xffff  }
0x91: {  	v13 =	vadd.f32 v14, v17;
	v14 =	vadd.f32 v16, v24;
	v7 =	vmul.f32 v21, v4;
	[tilespmem:s9+$0x180] =	vst v20  }
0x92: {  	s8 =	sshll.u32 s8, $0x4;
	v16 =	vand.u32 $0x7F, v10;
	v17 =	vand.u32 $0x7F, v11;
	v5 =	vmov v21;
	[tilespmem:s9+$0x100] =	vst v12  }
0x93: {  	s8 =	sand.u32 $0x70, s8;
	v11 =	vshll.u32 v11, $0x2;
	v12 =	vmul.f32 v2, v4;
	v20 =	vadd.f32 v7, v6;
	[tilespmem:s13+$0x12000] =	vst v13  }
0x94: {  	s8 =	sor.u32 s8, s16;
	v7 =	vshll.u32 v10, $0x2;
	v10 =	vmul.f32 v15, v4;
	v13 =	vmul.f32 v1, v4;
	[tilespmem:s9+$0x80] =	vst v14  }
0x95: {  	v11 =	vand.u32 $0xFFFFFE00, v11;
	v14 =	vand.u32 $0xFFFFFE00, v7;
	v4 =	vld [tilespmem:s8+$0x2180];
	v15 =	vadd.f32 v12, v6  }
0x96: {  	s9 =	sadd.s32 $0xFFFFFFFF, s1;
	v19 =	vor.u32 v16, v14;
	v10 =	vadd.f32 v10, v6;
	v7 =	vld [tilespmem:s8+$0x2100];
	v13 =	vadd.f32 v13, v6  }
0x97: {  	v24 =	vor.u32 v17, v11;
	s9 =	smin.u32 s9, $0xFD;
	v25 =	vor.u32 $0x180, v19;
	v12 =	vld [tilespmem:s8+$0x2000];
	v11 =	vmul.f32 v15, v18  }
0x98: {  	v17 =	vor.u32 $0x100, v24;
	s9 =	sshll.u32 s9, $0x4;
	v8 =	vmul.f32 v10, v8;
	v6 =	vld [tilespmem:s8+$0x2080];
	v15 =	vmul.f32 v13, v22  }
.Ltmp6:
0x99: {  	v21 =	vor.u32 $0x180, v24;
	v18 =	vor.u32 $0x80, v24;
	v10 =	vld [tilespmem:s9+$0x20];
	v13 =	vadd.f32 v11, v23;
	(pc) =	sbr.rel @p0 .LBB2_9-.Ltmp6, $4  }
0x9a: {  	v22 =	vor.u32 $0x80, v19;
	v14 =	vadd.f32 v8, v23;
	v11 =	vld [tilespmem:s9+$0x1020];
	v16 =	vadd.f32 v15, v23  }
0x9b: {  	v20 =	vmul.f32 v20, v9;
	v8 =	vld.idx.msk [tilespmem:v19+s20+$0x0], $0xffff;
	v19 =	vor.u32 $0x100, v19  }
0x9c: {  	v15 =	vld.idx.msk [tilespmem:v24+s20+$0x0], $0xffff  }
0x9d: {  	s1 =	sadd.s32 $0x1, s1;
	v20 =	vadd.f32 v20, v23;
	v9 =	vld.idx.msk [tilespmem:v25+s20+$0x0], $0xffff  }
0x9e: {  	v4 =	vmul.f32 v5, v0  }
0x9f: {  	s1 =	sand.u32 $0x70, s3;
	v2 =	vmul.f32 v2, v0  }
0xa0: {  	v3 =	vmul.f32 v3, v0;
	s0 =	sor.u32 s1, s0;
	v4 =	vadd.f32 v20, v4  }
0xa1: {  	v61 =	vmul.f32 v1, v0;
	p0 =	seq.s32 s29, $0x3F;
	s1 =	sadd.s32 $0x12000, s0;
	v62 =	vadd.f32 v13, v2  }
.Ltmp7:
0xa2: {  	v63 =	vadd.f32 v14, v3;
	[tilespmem:s1+$0x180] =	vst v4;
	(pc) =	sbr.rel @p0 .LBB2_12-.Ltmp7, $4  }
0xa3: {  	v0 =	vadd.f32 v16, v61;
	[tilespmem:s1+$0x100] =	vst v62  }
0xa4: {  	[tilespmem:s0+$0x12000] =	vst v63  }
0xa5: {  	s31 =	sadd.s32 s30, s11;
	[tilespmem:s1+$0x80] =	vst v0  }
0xa6: {  	[hbm4b:s31+s17] =	stream.strided.scatter [tilespmem:s25], [sflag:$0x4], $0x4000, s18, s17, $0x38;
	[tilespmem:$0x16000] =	vst v63  }
.Ltmp8:
0xa7: {  	(pc) =	sbr.rel .LBB2_2-.Ltmp8, $3  }
0xa8: {  	_ =	sdelay $0x1  }
0xa9: {  	s0 =	sadd.s32 s30, s12;
	s29 =	sadd.s32 $0x1, s29  }
0xaa: {  	[tilespmem:s20], [sflag:$0x2] =	stream.strided.gather [hbm4b:s0+s17], $0x4000, s18, s17, $0x38;
	[tilespmem:$0x16000] =	vst v63  }
.LBB2_13:
0xab: {  	_ =	sfence.sel $0x180000  }
0xac: {  	[bflag:$0x0] =	sbarrier.arrive $0xFFFF  }
0xad: {  	_ =	strace $0x90000047  }
0xae: {  	s0 =	stileid.u32;
	[bflag:$0x2] =	sbarrier.arrive $0xFFFF  }
0xaf: {  	p0 =	sne.s32 s0, $0x0;
	s0 =	rddreg [dreg:$0x5]  }
0xb0: {  	s0 =	sadd.s32 @!p0 $0x100000, s0  }
0xb1: {  	[sflag:s0] =	ssyncadd.tile.s32 @!p0 $0x1;
	_ =	shalt  }
.Lfunc_end2:
_tile_overlayer_lowered:
.L_overlay_start_2:
0xb2: {  	(tag) =	ssettag $0x2  }
0xb3: {  	s0 =	rddreg [dreg:$0x0];
	s2 =	stileid.u32  }
0xb4: {  	s1 =	rddreg [dreg:$0x1];
	p0 =	sne.s32 s2, $0x0  }
0xb5: {  	s3 =	rddreg [dreg:$0x2];
	[bflag:$0x3] =	sbarrier.arrive $0xFFFF;
	s2 =	simm.s32 @!p0 $0x1C05  }
0xb6: {  	[timem:s3], [sflag:s2] =	dma.local @!p0 [hbm:s0], s1  }
0xb7: {  	s0 =	simm.s32 @!p0 $0x5  }
0xb8: {  	_ =	swait.ge @!p0 [sflag:s0], s1  }
0xb9: {  	s1 =	ssub.s32 @!p0 $0x0, s1;
	[sflag:s0] =	ssyncset.done @!p0 $0x0  }
0xba: {  	[sflag:s0] =	ssyncadd.s32 @!p0 s1  }
0xbb: {  	[bflag:$0x3] =	sbarrier.arrive $0xFFFF  }
0xbc: {  	_ =	shalt  }

</sc_bundles>
